<compile_context>
chip_gen: v7x
topology: tpu7x:2x2x1
jax: 0.10.2.dev20260603
libtpu: 0.0.44.dev20260713+nightly
codegen_flags: <defaults>
</compile_context>

<pallas_src>
import functools

import jax
import jax.numpy as jnp
from jax import lax
from jax.experimental import pallas as pl
from jax.experimental.pallas import tpu as pltpu
from jax.experimental.pallas import tpu_sc as plsc

T = 32768
V = 32
NW = 32
ROWS = T // NW
HALO = 128
LROWS = ROWS + HALO

_DNUMS = lax.GatherDimensionNumbers(
    offset_dims=(), collapsed_slice_dims=(0,), start_index_map=(0,))


def _shuffle(vec, idx):
    return lax.gather(vec, idx[:, None], _DNUMS, slice_sizes=(1,),
                      mode=lax.GatherScatterMode.PROMISE_IN_BOUNDS)


def _sc_body(emt_hbm, out_hbm, emis_v, out_v):
    c = lax.axis_index("c")
    s = lax.axis_index("s")
    wid = s * 2 + c
    start = wid * ROWS

    off = jnp.where(wid > 0, HALO, 0)
    load_start = start - off
    pltpu.sync_copy(emt_hbm.at[:, pl.ds(load_start, LROWS)], emis_v)

    iota = lax.iota(jnp.int32, 16)
    shift_idx = jnp.maximum(iota - 1, 0)
    last_idx = iota * 0 + 15
    lane0 = iota == 0

    def argmax16(base):
        cur_max = emis_v[0, pl.ds(base, 16)]
        cur_id = jnp.zeros((16,), jnp.int32)
        for v in range(1, V):
            vals = emis_v[v, pl.ds(base, 16)]
            gt = vals > cur_max
            cur_max = jnp.where(gt, vals, cur_max)
            cur_id = jnp.where(gt, v, cur_id)
        return cur_id

    def collapse(cur_id, prev_ids):
        prev = jnp.where(lane0, _shuffle(prev_ids, last_idx),
                         _shuffle(cur_id, shift_idx))
        keep = (cur_id != prev) & (cur_id != 0)
        return jnp.where(keep, cur_id, -1)

    seed = jnp.where(wid > 0, argmax16(jnp.maximum(off - 16, 0)), -1)

    def pair_body(i, prev_ids):
        base = off + i * 32
        ids_a = argmax16(base)
        ids_b = argmax16(base + 16)
        out_v[pl.ds(i * 32, 16)] = collapse(ids_a, prev_ids)
        out_v[pl.ds(i * 32 + 16, 16)] = collapse(ids_b, ids_a)
        return ids_b

    lax.fori_loop(0, ROWS // 32, pair_body, seed)

    pltpu.sync_copy(out_v, out_hbm.at[pl.ds(start, ROWS)])


_ctc_sc = functools.partial(
    pl.kernel,
    out_type=jax.ShapeDtypeStruct((T,), jnp.int32),
    mesh=plsc.VectorSubcoreMesh(core_axis_name="c", subcore_axis_name="s"),
    compiler_params=pltpu.CompilerParams(
        use_tc_tiling_on_sc=True, needs_layout_passes=False),
    scratch_types=[
        pltpu.VMEM((V, LROWS), jnp.float32),
        pltpu.VMEM((ROWS,), jnp.int32),
    ],
)(_sc_body)


@jax.jit
def kernel(emission):
    return _ctc_sc(emission.T)

# --- scband reference (transcript-rebuilt; emitter-appended) ---
"""Pipeline reference for scband-ctcdecoder-31275951850063 (READ-ONLY COPY).

The authoritative reference and input builder live on the scoring server;
editing this copy changes nothing except your own understanding.
"""

import jax, jax.numpy as jnp
import numpy as np

T = 32768
V = 32
BLANK = 0

def setup_inputs(seed: int = 0) -> dict:
    key = jax.random.key(seed)
    emission = jax.random.normal(key, (T, V), dtype=jnp.float32)
    return {"emission": emission}

def reference(emission):
    # Greedy CTC decode, faithful to the torch forward:
    #   idx = argmax(emission[0], dim=-1)
    #   idx = unique_consecutive(idx)
    #   drop blanks
    # The torch code finally maps ids -> label chars and joins into a string;
    # here we return the decoded id sequence with collapsed/blank positions
    # marked as -1 (fixed-shape equivalent of the filtered list).
    ids = jnp.argmax(emission, axis=-1)
    prev = jnp.concatenate([jnp.full((1,), -1, dtype=ids.dtype), ids[:-1]])
    keep = (ids != prev) & (ids != BLANK)  # unique_consecutive + blank removal
    decoded = jnp.where(keep, ids, -1)
    return decoded

if __name__ == "__main__":
    import jax
    _d = setup_inputs()
    print(jax.jit(kernel)(*tuple(_d.values())))

</pallas_src>

<mosaic_0001>
#map = affine_map<(d0, d1) -> (0, 0)>
#map1 = affine_map<(d0, d1) -> (0)>
module attributes {stable_mosaic.version = 14 : i64} {
  func.func @_sc_body(%arg0: i32, %arg1: i32, %arg2: memref<32x32768xf32, #tpu.memory_space<hbm>>, %arg3: memref<32768xi32, #tpu.memory_space<hbm>>, %arg4: memref<32x1152xf32, #tpu.memory_space<vmem>>, %arg5: memref<1024xi32, #tpu.memory_space<vmem>>) attributes {dimension_semantics = [#tpu.dimension_semantics<core_parallel>, #tpu.dimension_semantics<subcore_parallel>], iteration_bounds = array<i64: 2, 16>, scalar_prefetch = 0 : i64, scratch_operands = 2 : i64, tpu.core_type = #tpu.core_type<sc_vector_subcore>, window_params = [{transform_indices = #map}, {transform_indices = #map1}]} {
    %mul3A = arith.constant 2 : i32
    %mul3A_0 = arith.muli %arg1, %mul3A : i32
    %add3A = arith.addi %mul3A_0, %arg0 : i32
    %mul3A_1 = arith.constant 1024 : i32
    %mul3A_2 = arith.muli %add3A, %mul3A_1 : i32
    %gt3A = arith.constant 0 : i32
    %gt3A_3 = arith.cmpi sgt, %add3A, %gt3A : i32
    %jit3A = arith.constant 128 : i32
    %jit3A_4 = arith.constant 0 : i32
    %select_n3A = arith.select %gt3A_3, %jit3A, %jit3A_4 : i32
    %sub3A = arith.subi %mul3A_2, %select_n3A : i32
    "tpu.region"() ({
      %run_scoped3A = tpu.sem_alloc : memref<!tpu.dma_semaphore, #tpu.memory_space<semaphore_mem>>
      %dma_start3A = arith.constant 0 : i32
      %dma_start3A_315 = tpu.memref_slice %arg2[%dma_start3A, %sub3A] : memref<32x32768xf32, #tpu.memory_space<hbm>> -> memref<32x1152xf32, #tpu.memory_space<hbm>>
      %dma_start3A_316 = arith.constant 0 : i32
      %dma_start3A_317 = tpu.memref_slice %arg2[%dma_start3A_316, %sub3A] : memref<32x32768xf32, #tpu.memory_space<hbm>> -> memref<32x1152xf32, #tpu.memory_space<hbm>>
      tpu.enqueue_dma source(%dma_start3A_317 : memref<32x1152xf32, #tpu.memory_space<hbm>>) target(%arg4 : memref<32x1152xf32, #tpu.memory_space<vmem>>) target_semaphore(%run_scoped3A : memref<!tpu.dma_semaphore, #tpu.memory_space<semaphore_mem>>)
      %dma_wait3A = arith.constant 0 : i32
      %dma_wait3A_318 = tpu.memref_slice %arg2[%dma_wait3A, %sub3A] : memref<32x32768xf32, #tpu.memory_space<hbm>> -> memref<32x1152xf32, #tpu.memory_space<hbm>>
      %dma_wait3A_319 = arith.constant 0 : i32
      %dma_wait3A_320 = tpu.memref_slice %arg2[%dma_wait3A_319, %sub3A] : memref<32x32768xf32, #tpu.memory_space<hbm>> -> memref<32x1152xf32, #tpu.memory_space<hbm>>
      tpu.wait_dma2 semaphore(%run_scoped3A : memref<!tpu.dma_semaphore, #tpu.memory_space<semaphore_mem>>) src(%dma_wait3A_320 : memref<32x1152xf32, #tpu.memory_space<hbm>>) dst(%arg4 : memref<32x1152xf32, #tpu.memory_space<vmem>>)
      tpu.yield
    }) : () -> ()
    %iota3A = tpu.iota {dimensions = array<i32: 0>} : vector<16xi32>
    %sub3A_5 = arith.constant 1 : i32
    %sub3A_6 = vector.broadcast %sub3A_5 : i32 to vector<16xi32>
    %sub3A_7 = arith.subi %iota3A, %sub3A_6 : vector<16xi32>
    %max3A = arith.constant 0 : i32
    %max3A_8 = vector.broadcast %max3A : i32 to vector<16xi32>
    %max3A_9 = arith.maxsi %sub3A_7, %max3A_8 : vector<16xi32>
    %mul3A_10 = arith.constant 0 : i32
    %mul3A_11 = vector.broadcast %mul3A_10 : i32 to vector<16xi32>
    %mul3A_12 = arith.muli %iota3A, %mul3A_11 : vector<16xi32>
    %add3A_13 = arith.constant 15 : i32
    %add3A_14 = vector.broadcast %add3A_13 : i32 to vector<16xi32>
    %add3A_15 = arith.addi %mul3A_12, %add3A_14 : vector<16xi32>
    %eq3A = arith.constant 0 : i32
    %eq3A_16 = vector.broadcast %eq3A : i32 to vector<16xi32>
    %eq3A_17 = arith.cmpi eq, %iota3A, %eq3A_16 : vector<16xi32>
    %gt3A_18 = arith.constant 0 : i32
    %gt3A_19 = arith.cmpi sgt, %add3A, %gt3A_18 : i32
    %sub3A_20 = arith.constant 16 : i32
    %sub3A_21 = arith.subi %select_n3A, %sub3A_20 : i32
    %max3A_22 = arith.constant 0 : i32
    %max3A_23 = arith.maxsi %sub3A_21, %max3A_22 : i32
    %get3A = arith.constant 0 : i32
    %get3A_24 = arith.index_cast %get3A : i32 to index
    %get3A_25 = arith.index_cast %max3A_23 : i32 to index
    %get3A_26 = tpu.vector_load %arg4[%get3A_24, %get3A_25] {strides = array<i32>} : memref<32x1152xf32, #tpu.memory_space<vmem>>, vector<16xf32>,
    %broadcast_in_dim3A = arith.constant 0 : i32
    %broadcast_in_dim3A_27 = vector.broadcast %broadcast_in_dim3A : i32 to vector<16xi32>
    %get3A_28 = arith.constant 1 : i32
    %get3A_29 = arith.index_cast %get3A_28 : i32 to index
    %get3A_30 = arith.index_cast %max3A_23 : i32 to index
    %get3A_31 = tpu.vector_load %arg4[%get3A_29, %get3A_30] {strides = array<i32>} : memref<32x1152xf32, #tpu.memory_space<vmem>>, vector<16xf32>,
    %gt3A_32 = arith.cmpf ogt, %get3A_31, %get3A_26 : vector<16xf32>
    %select_n3A_33 = arith.select %gt3A_32, %get3A_31, %get3A_26 : vector<16xi1>, vector<16xf32>
    %jit3A_34 = arith.constant 1 : i32
    %broadcast_in_dim3A_35 = vector.broadcast %jit3A_34 : i32 to vector<16xi32>
    %select_n3A_36 = arith.select %gt3A_32, %broadcast_in_dim3A_35, %broadcast_in_dim3A_27 : vector<16xi1>, vector<16xi32>
    %get3A_37 = arith.constant 2 : i32
    %get3A_38 = arith.index_cast %get3A_37 : i32 to index
    %get3A_39 = arith.index_cast %max3A_23 : i32 to index
    %get3A_40 = tpu.vector_load %arg4[%get3A_38, %get3A_39] {strides = array<i32>} : memref<32x1152xf32, #tpu.memory_space<vmem>>, vector<16xf32>,
    %gt3A_41 = arith.cmpf ogt, %get3A_40, %select_n3A_33 : vector<16xf32>
    %select_n3A_42 = arith.select %gt3A_41, %get3A_40, %select_n3A_33 : vector<16xi1>, vector<16xf32>
    %jit3A_43 = arith.constant 2 : i32
    %broadcast_in_dim3A_44 = vector.broadcast %jit3A_43 : i32 to vector<16xi32>
    %select_n3A_45 = arith.select %gt3A_41, %broadcast_in_dim3A_44, %select_n3A_36 : vector<16xi1>, vector<16xi32>
    %get3A_46 = arith.constant 3 : i32
    %get3A_47 = arith.index_cast %get3A_46 : i32 to index
    %get3A_48 = arith.index_cast %max3A_23 : i32 to index
    %get3A_49 = tpu.vector_load %arg4[%get3A_47, %get3A_48] {strides = array<i32>} : memref<32x1152xf32, #tpu.memory_space<vmem>>, vector<16xf32>,
    %gt3A_50 = arith.cmpf ogt, %get3A_49, %select_n3A_42 : vector<16xf32>
    %select_n3A_51 = arith.select %gt3A_50, %get3A_49, %select_n3A_42 : vector<16xi1>, vector<16xf32>
    %jit3A_52 = arith.constant 3 : i32
    %broadcast_in_dim3A_53 = vector.broadcast %jit3A_52 : i32 to vector<16xi32>
    %select_n3A_54 = arith.select %gt3A_50, %broadcast_in_dim3A_53, %select_n3A_45 : vector<16xi1>, vector<16xi32>
    %get3A_55 = arith.constant 4 : i32
    %get3A_56 = arith.index_cast %get3A_55 : i32 to index
    %get3A_57 = arith.index_cast %max3A_23 : i32 to index
    %get3A_58 = tpu.vector_load %arg4[%get3A_56, %get3A_57] {strides = array<i32>} : memref<32x1152xf32, #tpu.memory_space<vmem>>, vector<16xf32>,
    %gt3A_59 = arith.cmpf ogt, %get3A_58, %select_n3A_51 : vector<16xf32>
    %select_n3A_60 = arith.select %gt3A_59, %get3A_58, %select_n3A_51 : vector<16xi1>, vector<16xf32>
    %jit3A_61 = arith.constant 4 : i32
    %broadcast_in_dim3A_62 = vector.broadcast %jit3A_61 : i32 to vector<16xi32>
    %select_n3A_63 = arith.select %gt3A_59, %broadcast_in_dim3A_62, %select_n3A_54 : vector<16xi1>, vector<16xi32>
    %get3A_64 = arith.constant 5 : i32
    %get3A_65 = arith.index_cast %get3A_64 : i32 to index
    %get3A_66 = arith.index_cast %max3A_23 : i32 to index
    %get3A_67 = tpu.vector_load %arg4[%get3A_65, %get3A_66] {strides = array<i32>} : memref<32x1152xf32, #tpu.memory_space<vmem>>, vector<16xf32>,
    %gt3A_68 = arith.cmpf ogt, %get3A_67, %select_n3A_60 : vector<16xf32>
    %select_n3A_69 = arith.select %gt3A_68, %get3A_67, %select_n3A_60 : vector<16xi1>, vector<16xf32>
    %jit3A_70 = arith.constant 5 : i32
    %broadcast_in_dim3A_71 = vector.broadcast %jit3A_70 : i32 to vector<16xi32>
    %select_n3A_72 = arith.select %gt3A_68, %broadcast_in_dim3A_71, %select_n3A_63 : vector<16xi1>, vector<16xi32>
    %get3A_73 = arith.constant 6 : i32
    %get3A_74 = arith.index_cast %get3A_73 : i32 to index
    %get3A_75 = arith.index_cast %max3A_23 : i32 to index
    %get3A_76 = tpu.vector_load %arg4[%get3A_74, %get3A_75] {strides = array<i32>} : memref<32x1152xf32, #tpu.memory_space<vmem>>, vector<16xf32>,
    %gt3A_77 = arith.cmpf ogt, %get3A_76, %select_n3A_69 : vector<16xf32>
    %select_n3A_78 = arith.select %gt3A_77, %get3A_76, %select_n3A_69 : vector<16xi1>, vector<16xf32>
    %jit3A_79 = arith.constant 6 : i32
    %broadcast_in_dim3A_80 = vector.broadcast %jit3A_79 : i32 to vector<16xi32>
    %select_n3A_81 = arith.select %gt3A_77, %broadcast_in_dim3A_80, %select_n3A_72 : vector<16xi1>, vector<16xi32>
    %get3A_82 = arith.constant 7 : i32
    %get3A_83 = arith.index_cast %get3A_82 : i32 to index
    %get3A_84 = arith.index_cast %max3A_23 : i32 to index
    %get3A_85 = tpu.vector_load %arg4[%get3A_83, %get3A_84] {strides = array<i32>} : memref<32x1152xf32, #tpu.memory_space<vmem>>, vector<16xf32>,
    %gt3A_86 = arith.cmpf ogt, %get3A_85, %select_n3A_78 : vector<16xf32>
    %select_n3A_87 = arith.select %gt3A_86, %get3A_85, %select_n3A_78 : vector<16xi1>, vector<16xf32>
    %jit3A_88 = arith.constant 7 : i32
    %broadcast_in_dim3A_89 = vector.broadcast %jit3A_88 : i32 to vector<16xi32>
    %select_n3A_90 = arith.select %gt3A_86, %broadcast_in_dim3A_89, %select_n3A_81 : vector<16xi1>, vector<16xi32>
    %get3A_91 = arith.constant 8 : i32
    %get3A_92 = arith.index_cast %get3A_91 : i32 to index
    %get3A_93 = arith.index_cast %max3A_23 : i32 to index
    %get3A_94 = tpu.vector_load %arg4[%get3A_92, %get3A_93] {strides = array<i32>} : memref<32x1152xf32, #tpu.memory_space<vmem>>, vector<16xf32>,
    %gt3A_95 = arith.cmpf ogt, %get3A_94, %select_n3A_87 : vector<16xf32>
    %select_n3A_96 = arith.select %gt3A_95, %get3A_94, %select_n3A_87 : vector<16xi1>, vector<16xf32>
    %jit3A_97 = arith.constant 8 : i32
    %broadcast_in_dim3A_98 = vector.broadcast %jit3A_97 : i32 to vector<16xi32>
    %select_n3A_99 = arith.select %gt3A_95, %broadcast_in_dim3A_98, %select_n3A_90 : vector<16xi1>, vector<16xi32>
    %get3A_100 = arith.constant 9 : i32
    %get3A_101 = arith.index_cast %get3A_100 : i32 to index
    %get3A_102 = arith.index_cast %max3A_23 : i32 to index
    %get3A_103 = tpu.vector_load %arg4[%get3A_101, %get3A_102] {strides = array<i32>} : memref<32x1152xf32, #tpu.memory_space<vmem>>, vector<16xf32>,
    %gt3A_104 = arith.cmpf ogt, %get3A_103, %select_n3A_96 : vector<16xf32>
    %select_n3A_105 = arith.select %gt3A_104, %get3A_103, %select_n3A_96 : vector<16xi1>, vector<16xf32>
    %jit3A_106 = arith.constant 9 : i32
    %broadcast_in_dim3A_107 = vector.broadcast %jit3A_106 : i32 to vector<16xi32>
    %select_n3A_108 = arith.select %gt3A_104, %broadcast_in_dim3A_107, %select_n3A_99 : vector<16xi1>, vector<16xi32>
    %get3A_109 = arith.constant 10 : i32
    %get3A_110 = arith.index_cast %get3A_109 : i32 to index
    %get3A_111 = arith.index_cast %max3A_23 : i32 to index
    %get3A_112 = tpu.vector_load %arg4[%get3A_110, %get3A_111] {strides = array<i32>} : memref<32x1152xf32, #tpu.memory_space<vmem>>, vector<16xf32>,
    %gt3A_113 = arith.cmpf ogt, %get3A_112, %select_n3A_105 : vector<16xf32>
    %select_n3A_114 = arith.select %gt3A_113, %get3A_112, %select_n3A_105 : vector<16xi1>, vector<16xf32>
    %jit3A_115 = arith.constant 10 : i32
    %broadcast_in_dim3A_116 = vector.broadcast %jit3A_115 : i32 to vector<16xi32>
    %select_n3A_117 = arith.select %gt3A_113, %broadcast_in_dim3A_116, %select_n3A_108 : vector<16xi1>, vector<16xi32>
    %get3A_118 = arith.constant 11 : i32
    %get3A_119 = arith.index_cast %get3A_118 : i32 to index
    %get3A_120 = arith.index_cast %max3A_23 : i32 to index
    %get3A_121 = tpu.vector_load %arg4[%get3A_119, %get3A_120] {strides = array<i32>} : memref<32x1152xf32, #tpu.memory_space<vmem>>, vector<16xf32>,
    %gt3A_122 = arith.cmpf ogt, %get3A_121, %select_n3A_114 : vector<16xf32>
    %select_n3A_123 = arith.select %gt3A_122, %get3A_121, %select_n3A_114 : vector<16xi1>, vector<16xf32>
    %jit3A_124 = arith.constant 11 : i32
    %broadcast_in_dim3A_125 = vector.broadcast %jit3A_124 : i32 to vector<16xi32>
    %select_n3A_126 = arith.select %gt3A_122, %broadcast_in_dim3A_125, %select_n3A_117 : vector<16xi1>, vector<16xi32>
    %get3A_127 = arith.constant 12 : i32
    %get3A_128 = arith.index_cast %get3A_127 : i32 to index
    %get3A_129 = arith.index_cast %max3A_23 : i32 to index
    %get3A_130 = tpu.vector_load %arg4[%get3A_128, %get3A_129] {strides = array<i32>} : memref<32x1152xf32, #tpu.memory_space<vmem>>, vector<16xf32>,
    %gt3A_131 = arith.cmpf ogt, %get3A_130, %select_n3A_123 : vector<16xf32>
    %select_n3A_132 = arith.select %gt3A_131, %get3A_130, %select_n3A_123 : vector<16xi1>, vector<16xf32>
    %jit3A_133 = arith.constant 12 : i32
    %broadcast_in_dim3A_134 = vector.broadcast %jit3A_133 : i32 to vector<16xi32>
    %select_n3A_135 = arith.select %gt3A_131, %broadcast_in_dim3A_134, %select_n3A_126 : vector<16xi1>, vector<16xi32>
    %get3A_136 = arith.constant 13 : i32
    %get3A_137 = arith.index_cast %get3A_136 : i32 to index
    %get3A_138 = arith.index_cast %max3A_23 : i32 to index
    %get3A_139 = tpu.vector_load %arg4[%get3A_137, %get3A_138] {strides = array<i32>} : memref<32x1152xf32, #tpu.memory_space<vmem>>, vector<16xf32>,
    %gt3A_140 = arith.cmpf ogt, %get3A_139, %select_n3A_132 : vector<16xf32>
    %select_n3A_141 = arith.select %gt3A_140, %get3A_139, %select_n3A_132 : vector<16xi1>, vector<16xf32>
    %jit3A_142 = arith.constant 13 : i32
    %broadcast_in_dim3A_143 = vector.broadcast %jit3A_142 : i32 to vector<16xi32>
    %select_n3A_144 = arith.select %gt3A_140, %broadcast_in_dim3A_143, %select_n3A_135 : vector<16xi1>, vector<16xi32>
    %get3A_145 = arith.constant 14 : i32
    %get3A_146 = arith.index_cast %get3A_145 : i32 to index
    %get3A_147 = arith.index_cast %max3A_23 : i32 to index
    %get3A_148 = tpu.vector_load %arg4[%get3A_146, %get3A_147] {strides = array<i32>} : memref<32x1152xf32, #tpu.memory_space<vmem>>, vector<16xf32>,
    %gt3A_149 = arith.cmpf ogt, %get3A_148, %select_n3A_141 : vector<16xf32>
    %select_n3A_150 = arith.select %gt3A_149, %get3A_148, %select_n3A_141 : vector<16xi1>, vector<16xf32>
    %jit3A_151 = arith.constant 14 : i32
    %broadcast_in_dim3A_152 = vector.broadcast %jit3A_151 : i32 to vector<16xi32>
    %select_n3A_153 = arith.select %gt3A_149, %broadcast_in_dim3A_152, %select_n3A_144 : vector<16xi1>, vector<16xi32>
    %get3A_154 = arith.constant 15 : i32
    %get3A_155 = arith.index_cast %get3A_154 : i32 to index
    %get3A_156 = arith.index_cast %max3A_23 : i32 to index
    %get3A_157 = tpu.vector_load %arg4[%get3A_155, %get3A_156] {strides = array<i32>} : memref<32x1152xf32, #tpu.memory_space<vmem>>, vector<16xf32>,
    %gt3A_158 = arith.cmpf ogt, %get3A_157, %select_n3A_150 : vector<16xf32>
    %select_n3A_159 = arith.select %gt3A_158, %get3A_157, %select_n3A_150 : vector<16xi1>, vector<16xf32>
    %jit3A_160 = arith.constant 15 : i32
    %broadcast_in_dim3A_161 = vector.broadcast %jit3A_160 : i32 to vector<16xi32>
    %select_n3A_162 = arith.select %gt3A_158, %broadcast_in_dim3A_161, %select_n3A_153 : vector<16xi1>, vector<16xi32>
    %get3A_163 = arith.constant 16 : i32
    %get3A_164 = arith.index_cast %get3A_163 : i32 to index
    %get3A_165 = arith.index_cast %max3A_23 : i32 to index
    %get3A_166 = tpu.vector_load %arg4[%get3A_164, %get3A_165] {strides = array<i32>} : memref<32x1152xf32, #tpu.memory_space<vmem>>, vector<16xf32>,
    %gt3A_167 = arith.cmpf ogt, %get3A_166, %select_n3A_159 : vector<16xf32>
    %select_n3A_168 = arith.select %gt3A_167, %get3A_166, %select_n3A_159 : vector<16xi1>, vector<16xf32>
    %jit3A_169 = arith.constant 16 : i32
    %broadcast_in_dim3A_170 = vector.broadcast %jit3A_169 : i32 to vector<16xi32>
    %select_n3A_171 = arith.select %gt3A_167, %broadcast_in_dim3A_170, %select_n3A_162 : vector<16xi1>, vector<16xi32>
    %get3A_172 = arith.constant 17 : i32
    %get3A_173 = arith.index_cast %get3A_172 : i32 to index
    %get3A_174 = arith.index_cast %max3A_23 : i32 to index
    %get3A_175 = tpu.vector_load %arg4[%get3A_173, %get3A_174] {strides = array<i32>} : memref<32x1152xf32, #tpu.memory_space<vmem>>, vector<16xf32>,
    %gt3A_176 = arith.cmpf ogt, %get3A_175, %select_n3A_168 : vector<16xf32>
    %select_n3A_177 = arith.select %gt3A_176, %get3A_175, %select_n3A_168 : vector<16xi1>, vector<16xf32>
    %jit3A_178 = arith.constant 17 : i32
    %broadcast_in_dim3A_179 = vector.broadcast %jit3A_178 : i32 to vector<16xi32>
    %select_n3A_180 = arith.select %gt3A_176, %broadcast_in_dim3A_179, %select_n3A_171 : vector<16xi1>, vector<16xi32>
    %get3A_181 = arith.constant 18 : i32
    %get3A_182 = arith.index_cast %get3A_181 : i32 to index
    %get3A_183 = arith.index_cast %max3A_23 : i32 to index
    %get3A_184 = tpu.vector_load %arg4[%get3A_182, %get3A_183] {strides = array<i32>} : memref<32x1152xf32, #tpu.memory_space<vmem>>, vector<16xf32>,
    %gt3A_185 = arith.cmpf ogt, %get3A_184, %select_n3A_177 : vector<16xf32>
    %select_n3A_186 = arith.select %gt3A_185, %get3A_184, %select_n3A_177 : vector<16xi1>, vector<16xf32>
    %jit3A_187 = arith.constant 18 : i32
    %broadcast_in_dim3A_188 = vector.broadcast %jit3A_187 : i32 to vector<16xi32>
    %select_n3A_189 = arith.select %gt3A_185, %broadcast_in_dim3A_188, %select_n3A_180 : vector<16xi1>, vector<16xi32>
    %get3A_190 = arith.constant 19 : i32
    %get3A_191 = arith.index_cast %get3A_190 : i32 to index
    %get3A_192 = arith.index_cast %max3A_23 : i32 to index
    %get3A_193 = tpu.vector_load %arg4[%get3A_191, %get3A_192] {strides = array<i32>} : memref<32x1152xf32, #tpu.memory_space<vmem>>, vector<16xf32>,
    %gt3A_194 = arith.cmpf ogt, %get3A_193, %select_n3A_186 : vector<16xf32>
    %select_n3A_195 = arith.select %gt3A_194, %get3A_193, %select_n3A_186 : vector<16xi1>, vector<16xf32>
    %jit3A_196 = arith.constant 19 : i32
    %broadcast_in_dim3A_197 = vector.broadcast %jit3A_196 : i32 to vector<16xi32>
    %select_n3A_198 = arith.select %gt3A_194, %broadcast_in_dim3A_197, %select_n3A_189 : vector<16xi1>, vector<16xi32>
    %get3A_199 = arith.constant 20 : i32
    %get3A_200 = arith.index_cast %get3A_199 : i32 to index
    %get3A_201 = arith.index_cast %max3A_23 : i32 to index
    %get3A_202 = tpu.vector_load %arg4[%get3A_200, %get3A_201] {strides = array<i32>} : memref<32x1152xf32, #tpu.memory_space<vmem>>, vector<16xf32>,
    %gt3A_203 = arith.cmpf ogt, %get3A_202, %select_n3A_195 : vector<16xf32>
    %select_n3A_204 = arith.select %gt3A_203, %get3A_202, %select_n3A_195 : vector<16xi1>, vector<16xf32>
    %jit3A_205 = arith.constant 20 : i32
    %broadcast_in_dim3A_206 = vector.broadcast %jit3A_205 : i32 to vector<16xi32>
    %select_n3A_207 = arith.select %gt3A_203, %broadcast_in_dim3A_206, %select_n3A_198 : vector<16xi1>, vector<16xi32>
    %get3A_208 = arith.constant 21 : i32
    %get3A_209 = arith.index_cast %get3A_208 : i32 to index
    %get3A_210 = arith.index_cast %max3A_23 : i32 to index
    %get3A_211 = tpu.vector_load %arg4[%get3A_209, %get3A_210] {strides = array<i32>} : memref<32x1152xf32, #tpu.memory_space<vmem>>, vector<16xf32>,
    %gt3A_212 = arith.cmpf ogt, %get3A_211, %select_n3A_204 : vector<16xf32>
    %select_n3A_213 = arith.select %gt3A_212, %get3A_211, %select_n3A_204 : vector<16xi1>, vector<16xf32>
    %jit3A_214 = arith.constant 21 : i32
    %broadcast_in_dim3A_215 = vector.broadcast %jit3A_214 : i32 to vector<16xi32>
    %select_n3A_216 = arith.select %gt3A_212, %broadcast_in_dim3A_215, %select_n3A_207 : vector<16xi1>, vector<16xi32>
    %get3A_217 = arith.constant 22 : i32
    %get3A_218 = arith.index_cast %get3A_217 : i32 to index
    %get3A_219 = arith.index_cast %max3A_23 : i32 to index
    %get3A_220 = tpu.vector_load %arg4[%get3A_218, %get3A_219] {strides = array<i32>} : memref<32x1152xf32, #tpu.memory_space<vmem>>, vector<16xf32>,
    %gt3A_221 = arith.cmpf ogt, %get3A_220, %select_n3A_213 : vector<16xf32>
    %select_n3A_222 = arith.select %gt3A_221, %get3A_220, %select_n3A_213 : vector<16xi1>, vector<16xf32>
    %jit3A_223 = arith.constant 22 : i32
    %broadcast_in_dim3A_224 = vector.broadcast %jit3A_223 : i32 to vector<16xi32>
    %select_n3A_225 = arith.select %gt3A_221, %broadcast_in_dim3A_224, %select_n3A_216 : vector<16xi1>, vector<16xi32>
    %get3A_226 = arith.constant 23 : i32
    %get3A_227 = arith.index_cast %get3A_226 : i32 to index
    %get3A_228 = arith.index_cast %max3A_23 : i32 to index
    %get3A_229 = tpu.vector_load %arg4[%get3A_227, %get3A_228] {strides = array<i32>} : memref<32x1152xf32, #tpu.memory_space<vmem>>, vector<16xf32>,
    %gt3A_230 = arith.cmpf ogt, %get3A_229, %select_n3A_222 : vector<16xf32>
    %select_n3A_231 = arith.select %gt3A_230, %get3A_229, %select_n3A_222 : vector<16xi1>, vector<16xf32>
    %jit3A_232 = arith.constant 23 : i32
    %broadcast_in_dim3A_233 = vector.broadcast %jit3A_232 : i32 to vector<16xi32>
    %select_n3A_234 = arith.select %gt3A_230, %broadcast_in_dim3A_233, %select_n3A_225 : vector<16xi1>, vector<16xi32>
    %get3A_235 = arith.constant 24 : i32
    %get3A_236 = arith.index_cast %get3A_235 : i32 to index
    %get3A_237 = arith.index_cast %max3A_23 : i32 to index
    %get3A_238 = tpu.vector_load %arg4[%get3A_236, %get3A_237] {strides = array<i32>} : memref<32x1152xf32, #tpu.memory_space<vmem>>, vector<16xf32>,
    %gt3A_239 = arith.cmpf ogt, %get3A_238, %select_n3A_231 : vector<16xf32>
    %select_n3A_240 = arith.select %gt3A_239, %get3A_238, %select_n3A_231 : vector<16xi1>, vector<16xf32>
    %jit3A_241 = arith.constant 24 : i32
    %broadcast_in_dim3A_242 = vector.broadcast %jit3A_241 : i32 to vector<16xi32>
    %select_n3A_243 = arith.select %gt3A_239, %broadcast_in_dim3A_242, %select_n3A_234 : vector<16xi1>, vector<16xi32>
    %get3A_244 = arith.constant 25 : i32
    %get3A_245 = arith.index_cast %get3A_244 : i32 to index
    %get3A_246 = arith.index_cast %max3A_23 : i32 to index
    %get3A_247 = tpu.vector_load %arg4[%get3A_245, %get3A_246] {strides = array<i32>} : memref<32x1152xf32, #tpu.memory_space<vmem>>, vector<16xf32>,
    %gt3A_248 = arith.cmpf ogt, %get3A_247, %select_n3A_240 : vector<16xf32>
    %select_n3A_249 = arith.select %gt3A_248, %get3A_247, %select_n3A_240 : vector<16xi1>, vector<16xf32>
    %jit3A_250 = arith.constant 25 : i32
    %broadcast_in_dim3A_251 = vector.broadcast %jit3A_250 : i32 to vector<16xi32>
    %select_n3A_252 = arith.select %gt3A_248, %broadcast_in_dim3A_251, %select_n3A_243 : vector<16xi1>, vector<16xi32>
    %get3A_253 = arith.constant 26 : i32
    %get3A_254 = arith.index_cast %get3A_253 : i32 to index
    %get3A_255 = arith.index_cast %max3A_23 : i32 to index
    %get3A_256 = tpu.vector_load %arg4[%get3A_254, %get3A_255] {strides = array<i32>} : memref<32x1152xf32, #tpu.memory_space<vmem>>, vector<16xf32>,
    %gt3A_257 = arith.cmpf ogt, %get3A_256, %select_n3A_249 : vector<16xf32>
    %select_n3A_258 = arith.select %gt3A_257, %get3A_256, %select_n3A_249 : vector<16xi1>, vector<16xf32>
    %jit3A_259 = arith.constant 26 : i32
    %broadcast_in_dim3A_260 = vector.broadcast %jit3A_259 : i32 to vector<16xi32>
    %select_n3A_261 = arith.select %gt3A_257, %broadcast_in_dim3A_260, %select_n3A_252 : vector<16xi1>, vector<16xi32>
    %get3A_262 = arith.constant 27 : i32
    %get3A_263 = arith.index_cast %get3A_262 : i32 to index
    %get3A_264 = arith.index_cast %max3A_23 : i32 to index
    %get3A_265 = tpu.vector_load %arg4[%get3A_263, %get3A_264] {strides = array<i32>} : memref<32x1152xf32, #tpu.memory_space<vmem>>, vector<16xf32>,
    %gt3A_266 = arith.cmpf ogt, %get3A_265, %select_n3A_258 : vector<16xf32>
    %select_n3A_267 = arith.select %gt3A_266, %get3A_265, %select_n3A_258 : vector<16xi1>, vector<16xf32>
    %jit3A_268 = arith.constant 27 : i32
    %broadcast_in_dim3A_269 = vector.broadcast %jit3A_268 : i32 to vector<16xi32>
    %select_n3A_270 = arith.select %gt3A_266, %broadcast_in_dim3A_269, %select_n3A_261 : vector<16xi1>, vector<16xi32>
    %get3A_271 = arith.constant 28 : i32
    %get3A_272 = arith.index_cast %get3A_271 : i32 to index
    %get3A_273 = arith.index_cast %max3A_23 : i32 to index
    %get3A_274 = tpu.vector_load %arg4[%get3A_272, %get3A_273] {strides = array<i32>} : memref<32x1152xf32, #tpu.memory_space<vmem>>, vector<16xf32>,
    %gt3A_275 = arith.cmpf ogt, %get3A_274, %select_n3A_267 : vector<16xf32>
    %select_n3A_276 = arith.select %gt3A_275, %get3A_274, %select_n3A_267 : vector<16xi1>, vector<16xf32>
    %jit3A_277 = arith.constant 28 : i32
    %broadcast_in_dim3A_278 = vector.broadcast %jit3A_277 : i32 to vector<16xi32>
    %select_n3A_279 = arith.select %gt3A_275, %broadcast_in_dim3A_278, %select_n3A_270 : vector<16xi1>, vector<16xi32>
    %get3A_280 = arith.constant 29 : i32
    %get3A_281 = arith.index_cast %get3A_280 : i32 to index
    %get3A_282 = arith.index_cast %max3A_23 : i32 to index
    %get3A_283 = tpu.vector_load %arg4[%get3A_281, %get3A_282] {strides = array<i32>} : memref<32x1152xf32, #tpu.memory_space<vmem>>, vector<16xf32>,
    %gt3A_284 = arith.cmpf ogt, %get3A_283, %select_n3A_276 : vector<16xf32>
    %select_n3A_285 = arith.select %gt3A_284, %get3A_283, %select_n3A_276 : vector<16xi1>, vector<16xf32>
    %jit3A_286 = arith.constant 29 : i32
    %broadcast_in_dim3A_287 = vector.broadcast %jit3A_286 : i32 to vector<16xi32>
    %select_n3A_288 = arith.select %gt3A_284, %broadcast_in_dim3A_287, %select_n3A_279 : vector<16xi1>, vector<16xi32>
    %get3A_289 = arith.constant 30 : i32
    %get3A_290 = arith.index_cast %get3A_289 : i32 to index
    %get3A_291 = arith.index_cast %max3A_23 : i32 to index
    %get3A_292 = tpu.vector_load %arg4[%get3A_290, %get3A_291] {strides = array<i32>} : memref<32x1152xf32, #tpu.memory_space<vmem>>, vector<16xf32>,
    %gt3A_293 = arith.cmpf ogt, %get3A_292, %select_n3A_285 : vector<16xf32>
    %select_n3A_294 = arith.select %gt3A_293, %get3A_292, %select_n3A_285 : vector<16xi1>, vector<16xf32>
    %jit3A_295 = arith.constant 30 : i32
    %broadcast_in_dim3A_296 = vector.broadcast %jit3A_295 : i32 to vector<16xi32>
    %select_n3A_297 = arith.select %gt3A_293, %broadcast_in_dim3A_296, %select_n3A_288 : vector<16xi1>, vector<16xi32>
    %get3A_298 = arith.constant 31 : i32
    %get3A_299 = arith.index_cast %get3A_298 : i32 to index
    %get3A_300 = arith.index_cast %max3A_23 : i32 to index
    %get3A_301 = tpu.vector_load %arg4[%get3A_299, %get3A_300] {strides = array<i32>} : memref<32x1152xf32, #tpu.memory_space<vmem>>, vector<16xf32>,
    %gt3A_302 = arith.cmpf ogt, %get3A_301, %select_n3A_294 : vector<16xf32>
    %select_n3A_303 = arith.select %gt3A_302, %get3A_301, %select_n3A_294 : vector<16xi1>, vector<16xf32>
    %jit3A_304 = arith.constant 31 : i32
    %broadcast_in_dim3A_305 = vector.broadcast %jit3A_304 : i32 to vector<16xi32>
    %select_n3A_306 = arith.select %gt3A_302, %broadcast_in_dim3A_305, %select_n3A_297 : vector<16xi1>, vector<16xi32>
    %jit3A_307 = arith.constant -1 : i32
    %broadcast_in_dim3A_308 = vector.broadcast %jit3A_307 : i32 to vector<16xi32>
    %select_n3A_309 = arith.select %gt3A_19, %select_n3A_306, %broadcast_in_dim3A_308 : vector<16xi32>
    %scan3A = arith.constant 0 : i32
    %scan3A_310 = arith.constant 32 : i32
    %scan3A_311 = arith.addi %scan3A, %scan3A_310 : i32
    %scan3A_312 = arith.constant 1 : i32
    %scan3A_313 = scf.for %scan3A_315 = %scan3A to %scan3A_311 step %scan3A_312 iter_args(%scan3A_316 = %select_n3A_309) -> (vector<16xi32>)  : i32 {
      %mul3A_317 = arith.constant 32 : i32
      %mul3A_318 = arith.muli %scan3A_315, %mul3A_317 : i32
      %add3A_319 = arith.addi %select_n3A, %mul3A_318 : i32
      %get3A_320 = arith.constant 0 : i32
      %get3A_321 = arith.index_cast %get3A_320 : i32 to index
      %get3A_322 = arith.index_cast %add3A_319 : i32 to index
      %get3A_323 = tpu.vector_load %arg4[%get3A_321, %get3A_322] {strides = array<i32>} : memref<32x1152xf32, #tpu.memory_space<vmem>>, vector<16xf32>,
      %broadcast_in_dim3A_324 = arith.constant 0 : i32
      %broadcast_in_dim3A_325 = vector.broadcast %broadcast_in_dim3A_324 : i32 to vector<16xi32>
      %get3A_326 = arith.constant 1 : i32
      %get3A_327 = arith.index_cast %get3A_326 : i32 to index
      %get3A_328 = arith.index_cast %add3A_319 : i32 to index
      %get3A_329 = tpu.vector_load %arg4[%get3A_327, %get3A_328] {strides = array<i32>} : memref<32x1152xf32, #tpu.memory_space<vmem>>, vector<16xf32>,
      %gt3A_330 = arith.cmpf ogt, %get3A_329, %get3A_323 : vector<16xf32>
      %select_n3A_331 = arith.select %gt3A_330, %get3A_329, %get3A_323 : vector<16xi1>, vector<16xf32>
      %jit3A_332 = arith.constant 1 : i32
      %broadcast_in_dim3A_333 = vector.broadcast %jit3A_332 : i32 to vector<16xi32>
      %select_n3A_334 = arith.select %gt3A_330, %broadcast_in_dim3A_333, %broadcast_in_dim3A_325 : vector<16xi1>, vector<16xi32>
      %get3A_335 = arith.constant 2 : i32
      %get3A_336 = arith.index_cast %get3A_335 : i32 to index
      %get3A_337 = arith.index_cast %add3A_319 : i32 to index
      %get3A_338 = tpu.vector_load %arg4[%get3A_336, %get3A_337] {strides = array<i32>} : memref<32x1152xf32, #tpu.memory_space<vmem>>, vector<16xf32>,
      %gt3A_339 = arith.cmpf ogt, %get3A_338, %select_n3A_331 : vector<16xf32>
      %select_n3A_340 = arith.select %gt3A_339, %get3A_338, %select_n3A_331 : vector<16xi1>, vector<16xf32>
      %jit3A_341 = arith.constant 2 : i32
      %broadcast_in_dim3A_342 = vector.broadcast %jit3A_341 : i32 to vector<16xi32>
      %select_n3A_343 = arith.select %gt3A_339, %broadcast_in_dim3A_342, %select_n3A_334 : vector<16xi1>, vector<16xi32>
      %get3A_344 = arith.constant 3 : i32
      %get3A_345 = arith.index_cast %get3A_344 : i32 to index
      %get3A_346 = arith.index_cast %add3A_319 : i32 to index
      %get3A_347 = tpu.vector_load %arg4[%get3A_345, %get3A_346] {strides = array<i32>} : memref<32x1152xf32, #tpu.memory_space<vmem>>, vector<16xf32>,
      %gt3A_348 = arith.cmpf ogt, %get3A_347, %select_n3A_340 : vector<16xf32>
      %select_n3A_349 = arith.select %gt3A_348, %get3A_347, %select_n3A_340 : vector<16xi1>, vector<16xf32>
      %jit3A_350 = arith.constant 3 : i32
      %broadcast_in_dim3A_351 = vector.broadcast %jit3A_350 : i32 to vector<16xi32>
      %select_n3A_352 = arith.select %gt3A_348, %broadcast_in_dim3A_351, %select_n3A_343 : vector<16xi1>, vector<16xi32>
      %get3A_353 = arith.constant 4 : i32
      %get3A_354 = arith.index_cast %get3A_353 : i32 to index
      %get3A_355 = arith.index_cast %add3A_319 : i32 to index
      %get3A_356 = tpu.vector_load %arg4[%get3A_354, %get3A_355] {strides = array<i32>} : memref<32x1152xf32, #tpu.memory_space<vmem>>, vector<16xf32>,
      %gt3A_357 = arith.cmpf ogt, %get3A_356, %select_n3A_349 : vector<16xf32>
      %select_n3A_358 = arith.select %gt3A_357, %get3A_356, %select_n3A_349 : vector<16xi1>, vector<16xf32>
      %jit3A_359 = arith.constant 4 : i32
      %broadcast_in_dim3A_360 = vector.broadcast %jit3A_359 : i32 to vector<16xi32>
      %select_n3A_361 = arith.select %gt3A_357, %broadcast_in_dim3A_360, %select_n3A_352 : vector<16xi1>, vector<16xi32>
      %get3A_362 = arith.constant 5 : i32
      %get3A_363 = arith.index_cast %get3A_362 : i32 to index
      %get3A_364 = arith.index_cast %add3A_319 : i32 to index
      %get3A_365 = tpu.vector_load %arg4[%get3A_363, %get3A_364] {strides = array<i32>} : memref<32x1152xf32, #tpu.memory_space<vmem>>, vector<16xf32>,
      %gt3A_366 = arith.cmpf ogt, %get3A_365, %select_n3A_358 : vector<16xf32>
      %select_n3A_367 = arith.select %gt3A_366, %get3A_365, %select_n3A_358 : vector<16xi1>, vector<16xf32>
      %jit3A_368 = arith.constant 5 : i32
      %broadcast_in_dim3A_369 = vector.broadcast %jit3A_368 : i32 to vector<16xi32>
      %select_n3A_370 = arith.select %gt3A_366, %broadcast_in_dim3A_369, %select_n3A_361 : vector<16xi1>, vector<16xi32>
      %get3A_371 = arith.constant 6 : i32
      %get3A_372 = arith.index_cast %get3A_371 : i32 to index
      %get3A_373 = arith.index_cast %add3A_319 : i32 to index
      %get3A_374 = tpu.vector_load %arg4[%get3A_372, %get3A_373] {strides = array<i32>} : memref<32x1152xf32, #tpu.memory_space<vmem>>, vector<16xf32>,
      %gt3A_375 = arith.cmpf ogt, %get3A_374, %select_n3A_367 : vector<16xf32>
      %select_n3A_376 = arith.select %gt3A_375, %get3A_374, %select_n3A_367 : vector<16xi1>, vector<16xf32>
      %jit3A_377 = arith.constant 6 : i32
      %broadcast_in_dim3A_378 = vector.broadcast %jit3A_377 : i32 to vector<16xi32>
      %select_n3A_379 = arith.select %gt3A_375, %broadcast_in_dim3A_378, %select_n3A_370 : vector<16xi1>, vector<16xi32>
      %get3A_380 = arith.constant 7 : i32
      %get3A_381 = arith.index_cast %get3A_380 : i32 to index
      %get3A_382 = arith.index_cast %add3A_319 : i32 to index
      %get3A_383 = tpu.vector_load %arg4[%get3A_381, %get3A_382] {strides = array<i32>} : memref<32x1152xf32, #tpu.memory_space<vmem>>, vector<16xf32>,
      %gt3A_384 = arith.cmpf ogt, %get3A_383, %select_n3A_376 : vector<16xf32>
      %select_n3A_385 = arith.select %gt3A_384, %get3A_383, %select_n3A_376 : vector<16xi1>, vector<16xf32>
      %jit3A_386 = arith.constant 7 : i32
      %broadcast_in_dim3A_387 = vector.broadcast %jit3A_386 : i32 to vector<16xi32>
      %select_n3A_388 = arith.select %gt3A_384, %broadcast_in_dim3A_387, %select_n3A_379 : vector<16xi1>, vector<16xi32>
      %get3A_389 = arith.constant 8 : i32
      %get3A_390 = arith.index_cast %get3A_389 : i32 to index
      %get3A_391 = arith.index_cast %add3A_319 : i32 to index
      %get3A_392 = tpu.vector_load %arg4[%get3A_390, %get3A_391] {strides = array<i32>} : memref<32x1152xf32, #tpu.memory_space<vmem>>, vector<16xf32>,
      %gt3A_393 = arith.cmpf ogt, %get3A_392, %select_n3A_385 : vector<16xf32>
      %select_n3A_394 = arith.select %gt3A_393, %get3A_392, %select_n3A_385 : vector<16xi1>, vector<16xf32>
      %jit3A_395 = arith.constant 8 : i32
      %broadcast_in_dim3A_396 = vector.broadcast %jit3A_395 : i32 to vector<16xi32>
      %select_n3A_397 = arith.select %gt3A_393, %broadcast_in_dim3A_396, %select_n3A_388 : vector<16xi1>, vector<16xi32>
      %get3A_398 = arith.constant 9 : i32
      %get3A_399 = arith.index_cast %get3A_398 : i32 to index
      %get3A_400 = arith.index_cast %add3A_319 : i32 to index
      %get3A_401 = tpu.vector_load %arg4[%get3A_399, %get3A_400] {strides = array<i32>} : memref<32x1152xf32, #tpu.memory_space<vmem>>, vector<16xf32>,
      %gt3A_402 = arith.cmpf ogt, %get3A_401, %select_n3A_394 : vector<16xf32>
      %select_n3A_403 = arith.select %gt3A_402, %get3A_401, %select_n3A_394 : vector<16xi1>, vector<16xf32>
      %jit3A_404 = arith.constant 9 : i32
      %broadcast_in_dim3A_405 = vector.broadcast %jit3A_404 : i32 to vector<16xi32>
      %select_n3A_406 = arith.select %gt3A_402, %broadcast_in_dim3A_405, %select_n3A_397 : vector<16xi1>, vector<16xi32>
      %get3A_407 = arith.constant 10 : i32
      %get3A_408 = arith.index_cast %get3A_407 : i32 to index
      %get3A_409 = arith.index_cast %add3A_319 : i32 to index
      %get3A_410 = tpu.vector_load %arg4[%get3A_408, %get3A_409] {strides = array<i32>} : memref<32x1152xf32, #tpu.memory_space<vmem>>, vector<16xf32>,
      %gt3A_411 = arith.cmpf ogt, %get3A_410, %select_n3A_403 : vector<16xf32>
      %select_n3A_412 = arith.select %gt3A_411, %get3A_410, %select_n3A_403 : vector<16xi1>, vector<16xf32>
      %jit3A_413 = arith.constant 10 : i32
      %broadcast_in_dim3A_414 = vector.broadcast %jit3A_413 : i32 to vector<16xi32>
      %select_n3A_415 = arith.select %gt3A_411, %broadcast_in_dim3A_414, %select_n3A_406 : vector<16xi1>, vector<16xi32>
      %get3A_416 = arith.constant 11 : i32
      %get3A_417 = arith.index_cast %get3A_416 : i32 to index
      %get3A_418 = arith.index_cast %add3A_319 : i32 to index
      %get3A_419 = tpu.vector_load %arg4[%get3A_417, %get3A_418] {strides = array<i32>} : memref<32x1152xf32, #tpu.memory_space<vmem>>, vector<16xf32>,
      %gt3A_420 = arith.cmpf ogt, %get3A_419, %select_n3A_412 : vector<16xf32>
      %select_n3A_421 = arith.select %gt3A_420, %get3A_419, %select_n3A_412 : vector<16xi1>, vector<16xf32>
      %jit3A_422 = arith.constant 11 : i32
      %broadcast_in_dim3A_423 = vector.broadcast %jit3A_422 : i32 to vector<16xi32>
      %select_n3A_424 = arith.select %gt3A_420, %broadcast_in_dim3A_423, %select_n3A_415 : vector<16xi1>, vector<16xi32>
      %get3A_425 = arith.constant 12 : i32
      %get3A_426 = arith.index_cast %get3A_425 : i32 to index
      %get3A_427 = arith.index_cast %add3A_319 : i32 to index
      %get3A_428 = tpu.vector_load %arg4[%get3A_426, %get3A_427] {strides = array<i32>} : memref<32x1152xf32, #tpu.memory_space<vmem>>, vector<16xf32>,
      %gt3A_429 = arith.cmpf ogt, %get3A_428, %select_n3A_421 : vector<16xf32>
      %select_n3A_430 = arith.select %gt3A_429, %get3A_428, %select_n3A_421 : vector<16xi1>, vector<16xf32>
      %jit3A_431 = arith.constant 12 : i32
      %broadcast_in_dim3A_432 = vector.broadcast %jit3A_431 : i32 to vector<16xi32>
      %select_n3A_433 = arith.select %gt3A_429, %broadcast_in_dim3A_432, %select_n3A_424 : vector<16xi1>, vector<16xi32>
      %get3A_434 = arith.constant 13 : i32
      %get3A_435 = arith.index_cast %get3A_434 : i32 to index
      %get3A_436 = arith.index_cast %add3A_319 : i32 to index
      %get3A_437 = tpu.vector_load %arg4[%get3A_435, %get3A_436] {strides = array<i32>} : memref<32x1152xf32, #tpu.memory_space<vmem>>, vector<16xf32>,
      %gt3A_438 = arith.cmpf ogt, %get3A_437, %select_n3A_430 : vector<16xf32>
      %select_n3A_439 = arith.select %gt3A_438, %get3A_437, %select_n3A_430 : vector<16xi1>, vector<16xf32>
      %jit3A_440 = arith.constant 13 : i32
      %broadcast_in_dim3A_441 = vector.broadcast %jit3A_440 : i32 to vector<16xi32>
      %select_n3A_442 = arith.select %gt3A_438, %broadcast_in_dim3A_441, %select_n3A_433 : vector<16xi1>, vector<16xi32>
      %get3A_443 = arith.constant 14 : i32
      %get3A_444 = arith.index_cast %get3A_443 : i32 to index
      %get3A_445 = arith.index_cast %add3A_319 : i32 to index
      %get3A_446 = tpu.vector_load %arg4[%get3A_444, %get3A_445] {strides = array<i32>} : memref<32x1152xf32, #tpu.memory_space<vmem>>, vector<16xf32>,
      %gt3A_447 = arith.cmpf ogt, %get3A_446, %select_n3A_439 : vector<16xf32>
      %select_n3A_448 = arith.select %gt3A_447, %get3A_446, %select_n3A_439 : vector<16xi1>, vector<16xf32>
      %jit3A_449 = arith.constant 14 : i32
      %broadcast_in_dim3A_450 = vector.broadcast %jit3A_449 : i32 to vector<16xi32>
      %select_n3A_451 = arith.select %gt3A_447, %broadcast_in_dim3A_450, %select_n3A_442 : vector<16xi1>, vector<16xi32>
      %get3A_452 = arith.constant 15 : i32
      %get3A_453 = arith.index_cast %get3A_452 : i32 to index
      %get3A_454 = arith.index_cast %add3A_319 : i32 to index
      %get3A_455 = tpu.vector_load %arg4[%get3A_453, %get3A_454] {strides = array<i32>} : memref<32x1152xf32, #tpu.memory_space<vmem>>, vector<16xf32>,
      %gt3A_456 = arith.cmpf ogt, %get3A_455, %select_n3A_448 : vector<16xf32>
      %select_n3A_457 = arith.select %gt3A_456, %get3A_455, %select_n3A_448 : vector<16xi1>, vector<16xf32>
      %jit3A_458 = arith.constant 15 : i32
      %broadcast_in_dim3A_459 = vector.broadcast %jit3A_458 : i32 to vector<16xi32>
      %select_n3A_460 = arith.select %gt3A_456, %broadcast_in_dim3A_459, %select_n3A_451 : vector<16xi1>, vector<16xi32>
      %get3A_461 = arith.constant 16 : i32
      %get3A_462 = arith.index_cast %get3A_461 : i32 to index
      %get3A_463 = arith.index_cast %add3A_319 : i32 to index
      %get3A_464 = tpu.vector_load %arg4[%get3A_462, %get3A_463] {strides = array<i32>} : memref<32x1152xf32, #tpu.memory_space<vmem>>, vector<16xf32>,
      %gt3A_465 = arith.cmpf ogt, %get3A_464, %select_n3A_457 : vector<16xf32>
      %select_n3A_466 = arith.select %gt3A_465, %get3A_464, %select_n3A_457 : vector<16xi1>, vector<16xf32>
      %jit3A_467 = arith.constant 16 : i32
      %broadcast_in_dim3A_468 = vector.broadcast %jit3A_467 : i32 to vector<16xi32>
      %select_n3A_469 = arith.select %gt3A_465, %broadcast_in_dim3A_468, %select_n3A_460 : vector<16xi1>, vector<16xi32>
      %get3A_470 = arith.constant 17 : i32
      %get3A_471 = arith.index_cast %get3A_470 : i32 to index
      %get3A_472 = arith.index_cast %add3A_319 : i32 to index
      %get3A_473 = tpu.vector_load %arg4[%get3A_471, %get3A_472] {strides = array<i32>} : memref<32x1152xf32, #tpu.memory_space<vmem>>, vector<16xf32>,
      %gt3A_474 = arith.cmpf ogt, %get3A_473, %select_n3A_466 : vector<16xf32>
      %select_n3A_475 = arith.select %gt3A_474, %get3A_473, %select_n3A_466 : vector<16xi1>, vector<16xf32>
      %jit3A_476 = arith.constant 17 : i32
      %broadcast_in_dim3A_477 = vector.broadcast %jit3A_476 : i32 to vector<16xi32>
      %select_n3A_478 = arith.select %gt3A_474, %broadcast_in_dim3A_477, %select_n3A_469 : vector<16xi1>, vector<16xi32>
      %get3A_479 = arith.constant 18 : i32
      %get3A_480 = arith.index_cast %get3A_479 : i32 to index
      %get3A_481 = arith.index_cast %add3A_319 : i32 to index
      %get3A_482 = tpu.vector_load %arg4[%get3A_480, %get3A_481] {strides = array<i32>} : memref<32x1152xf32, #tpu.memory_space<vmem>>, vector<16xf32>,
      %gt3A_483 = arith.cmpf ogt, %get3A_482, %select_n3A_475 : vector<16xf32>
      %select_n3A_484 = arith.select %gt3A_483, %get3A_482, %select_n3A_475 : vector<16xi1>, vector<16xf32>
      %jit3A_485 = arith.constant 18 : i32
      %broadcast_in_dim3A_486 = vector.broadcast %jit3A_485 : i32 to vector<16xi32>
      %select_n3A_487 = arith.select %gt3A_483, %broadcast_in_dim3A_486, %select_n3A_478 : vector<16xi1>, vector<16xi32>
      %get3A_488 = arith.constant 19 : i32
      %get3A_489 = arith.index_cast %get3A_488 : i32 to index
      %get3A_490 = arith.index_cast %add3A_319 : i32 to index
      %get3A_491 = tpu.vector_load %arg4[%get3A_489, %get3A_490] {strides = array<i32>} : memref<32x1152xf32, #tpu.memory_space<vmem>>, vector<16xf32>,
      %gt3A_492 = arith.cmpf ogt, %get3A_491, %select_n3A_484 : vector<16xf32>
      %select_n3A_493 = arith.select %gt3A_492, %get3A_491, %select_n3A_484 : vector<16xi1>, vector<16xf32>
      %jit3A_494 = arith.constant 19 : i32
      %broadcast_in_dim3A_495 = vector.broadcast %jit3A_494 : i32 to vector<16xi32>
      %select_n3A_496 = arith.select %gt3A_492, %broadcast_in_dim3A_495, %select_n3A_487 : vector<16xi1>, vector<16xi32>
      %get3A_497 = arith.constant 20 : i32
      %get3A_498 = arith.index_cast %get3A_497 : i32 to index
      %get3A_499 = arith.index_cast %add3A_319 : i32 to index
      %get3A_500 = tpu.vector_load %arg4[%get3A_498, %get3A_499] {strides = array<i32>} : memref<32x1152xf32, #tpu.memory_space<vmem>>, vector<16xf32>,
      %gt3A_501 = arith.cmpf ogt, %get3A_500, %select_n3A_493 : vector<16xf32>
      %select_n3A_502 = arith.select %gt3A_501, %get3A_500, %select_n3A_493 : vector<16xi1>, vector<16xf32>
      %jit3A_503 = arith.constant 20 : i32
      %broadcast_in_dim3A_504 = vector.broadcast %jit3A_503 : i32 to vector<16xi32>
      %select_n3A_505 = arith.select %gt3A_501, %broadcast_in_dim3A_504, %select_n3A_496 : vector<16xi1>, vector<16xi32>
      %get3A_506 = arith.constant 21 : i32
      %get3A_507 = arith.index_cast %get3A_506 : i32 to index
      %get3A_508 = arith.index_cast %add3A_319 : i32 to index
      %get3A_509 = tpu.vector_load %arg4[%get3A_507, %get3A_508] {strides = array<i32>} : memref<32x1152xf32, #tpu.memory_space<vmem>>, vector<16xf32>,
      %gt3A_510 = arith.cmpf ogt, %get3A_509, %select_n3A_502 : vector<16xf32>
      %select_n3A_511 = arith.select %gt3A_510, %get3A_509, %select_n3A_502 : vector<16xi1>, vector<16xf32>
      %jit3A_512 = arith.constant 21 : i32
      %broadcast_in_dim3A_513 = vector.broadcast %jit3A_512 : i32 to vector<16xi32>
      %select_n3A_514 = arith.select %gt3A_510, %broadcast_in_dim3A_513, %select_n3A_505 : vector<16xi1>, vector<16xi32>
      %get3A_515 = arith.constant 22 : i32
      %get3A_516 = arith.index_cast %get3A_515 : i32 to index
      %get3A_517 = arith.index_cast %add3A_319 : i32 to index
      %get3A_518 = tpu.vector_load %arg4[%get3A_516, %get3A_517] {strides = array<i32>} : memref<32x1152xf32, #tpu.memory_space<vmem>>, vector<16xf32>,
      %gt3A_519 = arith.cmpf ogt, %get3A_518, %select_n3A_511 : vector<16xf32>
      %select_n3A_520 = arith.select %gt3A_519, %get3A_518, %select_n3A_511 : vector<16xi1>, vector<16xf32>
      %jit3A_521 = arith.constant 22 : i32
      %broadcast_in_dim3A_522 = vector.broadcast %jit3A_521 : i32 to vector<16xi32>
      %select_n3A_523 = arith.select %gt3A_519, %broadcast_in_dim3A_522, %select_n3A_514 : vector<16xi1>, vector<16xi32>
      %get3A_524 = arith.constant 23 : i32
      %get3A_525 = arith.index_cast %get3A_524 : i32 to index
      %get3A_526 = arith.index_cast %add3A_319 : i32 to index
      %get3A_527 = tpu.vector_load %arg4[%get3A_525, %get3A_526] {strides = array<i32>} : memref<32x1152xf32, #tpu.memory_space<vmem>>, vector<16xf32>,
      %gt3A_528 = arith.cmpf ogt, %get3A_527, %select_n3A_520 : vector<16xf32>
      %select_n3A_529 = arith.select %gt3A_528, %get3A_527, %select_n3A_520 : vector<16xi1>, vector<16xf32>
      %jit3A_530 = arith.constant 23 : i32
      %broadcast_in_dim3A_531 = vector.broadcast %jit3A_530 : i32 to vector<16xi32>
      %select_n3A_532 = arith.select %gt3A_528, %broadcast_in_dim3A_531, %select_n3A_523 : vector<16xi1>, vector<16xi32>
      %get3A_533 = arith.constant 24 : i32
      %get3A_534 = arith.index_cast %get3A_533 : i32 to index
      %get3A_535 = arith.index_cast %add3A_319 : i32 to index
      %get3A_536 = tpu.vector_load %arg4[%get3A_534, %get3A_535] {strides = array<i32>} : memref<32x1152xf32, #tpu.memory_space<vmem>>, vector<16xf32>,
      %gt3A_537 = arith.cmpf ogt, %get3A_536, %select_n3A_529 : vector<16xf32>
      %select_n3A_538 = arith.select %gt3A_537, %get3A_536, %select_n3A_529 : vector<16xi1>, vector<16xf32>
      %jit3A_539 = arith.constant 24 : i32
      %broadcast_in_dim3A_540 = vector.broadcast %jit3A_539 : i32 to vector<16xi32>
      %select_n3A_541 = arith.select %gt3A_537, %broadcast_in_dim3A_540, %select_n3A_532 : vector<16xi1>, vector<16xi32>
      %get3A_542 = arith.constant 25 : i32
      %get3A_543 = arith.index_cast %get3A_542 : i32 to index
      %get3A_544 = arith.index_cast %add3A_319 : i32 to index
      %get3A_545 = tpu.vector_load %arg4[%get3A_543, %get3A_544] {strides = array<i32>} : memref<32x1152xf32, #tpu.memory_space<vmem>>, vector<16xf32>,
      %gt3A_546 = arith.cmpf ogt, %get3A_545, %select_n3A_538 : vector<16xf32>
      %select_n3A_547 = arith.select %gt3A_546, %get3A_545, %select_n3A_538 : vector<16xi1>, vector<16xf32>
      %jit3A_548 = arith.constant 25 : i32
      %broadcast_in_dim3A_549 = vector.broadcast %jit3A_548 : i32 to vector<16xi32>
      %select_n3A_550 = arith.select %gt3A_546, %broadcast_in_dim3A_549, %select_n3A_541 : vector<16xi1>, vector<16xi32>
      %get3A_551 = arith.constant 26 : i32
      %get3A_552 = arith.index_cast %get3A_551 : i32 to index
      %get3A_553 = arith.index_cast %add3A_319 : i32 to index
      %get3A_554 = tpu.vector_load %arg4[%get3A_552, %get3A_553] {strides = array<i32>} : memref<32x1152xf32, #tpu.memory_space<vmem>>, vector<16xf32>,
      %gt3A_555 = arith.cmpf ogt, %get3A_554, %select_n3A_547 : vector<16xf32>
      %select_n3A_556 = arith.select %gt3A_555, %get3A_554, %select_n3A_547 : vector<16xi1>, vector<16xf32>
      %jit3A_557 = arith.constant 26 : i32
      %broadcast_in_dim3A_558 = vector.broadcast %jit3A_557 : i32 to vector<16xi32>
      %select_n3A_559 = arith.select %gt3A_555, %broadcast_in_dim3A_558, %select_n3A_550 : vector<16xi1>, vector<16xi32>
      %get3A_560 = arith.constant 27 : i32
      %get3A_561 = arith.index_cast %get3A_560 : i32 to index
      %get3A_562 = arith.index_cast %add3A_319 : i32 to index
      %get3A_563 = tpu.vector_load %arg4[%get3A_561, %get3A_562] {strides = array<i32>} : memref<32x1152xf32, #tpu.memory_space<vmem>>, vector<16xf32>,
      %gt3A_564 = arith.cmpf ogt, %get3A_563, %select_n3A_556 : vector<16xf32>
      %select_n3A_565 = arith.select %gt3A_564, %get3A_563, %select_n3A_556 : vector<16xi1>, vector<16xf32>
      %jit3A_566 = arith.constant 27 : i32
      %broadcast_in_dim3A_567 = vector.broadcast %jit3A_566 : i32 to vector<16xi32>
      %select_n3A_568 = arith.select %gt3A_564, %broadcast_in_dim3A_567, %select_n3A_559 : vector<16xi1>, vector<16xi32>
      %get3A_569 = arith.constant 28 : i32
      %get3A_570 = arith.index_cast %get3A_569 : i32 to index
      %get3A_571 = arith.index_cast %add3A_319 : i32 to index
      %get3A_572 = tpu.vector_load %arg4[%get3A_570, %get3A_571] {strides = array<i32>} : memref<32x1152xf32, #tpu.memory_space<vmem>>, vector<16xf32>,
      %gt3A_573 = arith.cmpf ogt, %get3A_572, %select_n3A_565 : vector<16xf32>
      %select_n3A_574 = arith.select %gt3A_573, %get3A_572, %select_n3A_565 : vector<16xi1>, vector<16xf32>
      %jit3A_575 = arith.constant 28 : i32
      %broadcast_in_dim3A_576 = vector.broadcast %jit3A_575 : i32 to vector<16xi32>
      %select_n3A_577 = arith.select %gt3A_573, %broadcast_in_dim3A_576, %select_n3A_568 : vector<16xi1>, vector<16xi32>
      %get3A_578 = arith.constant 29 : i32
      %get3A_579 = arith.index_cast %get3A_578 : i32 to index
      %get3A_580 = arith.index_cast %add3A_319 : i32 to index
      %get3A_581 = tpu.vector_load %arg4[%get3A_579, %get3A_580] {strides = array<i32>} : memref<32x1152xf32, #tpu.memory_space<vmem>>, vector<16xf32>,
      %gt3A_582 = arith.cmpf ogt, %get3A_581, %select_n3A_574 : vector<16xf32>
      %select_n3A_583 = arith.select %gt3A_582, %get3A_581, %select_n3A_574 : vector<16xi1>, vector<16xf32>
      %jit3A_584 = arith.constant 29 : i32
      %broadcast_in_dim3A_585 = vector.broadcast %jit3A_584 : i32 to vector<16xi32>
      %select_n3A_586 = arith.select %gt3A_582, %broadcast_in_dim3A_585, %select_n3A_577 : vector<16xi1>, vector<16xi32>
      %get3A_587 = arith.constant 30 : i32
      %get3A_588 = arith.index_cast %get3A_587 : i32 to index
      %get3A_589 = arith.index_cast %add3A_319 : i32 to index
      %get3A_590 = tpu.vector_load %arg4[%get3A_588, %get3A_589] {strides = array<i32>} : memref<32x1152xf32, #tpu.memory_space<vmem>>, vector<16xf32>,
      %gt3A_591 = arith.cmpf ogt, %get3A_590, %select_n3A_583 : vector<16xf32>
      %select_n3A_592 = arith.select %gt3A_591, %get3A_590, %select_n3A_583 : vector<16xi1>, vector<16xf32>
      %jit3A_593 = arith.constant 30 : i32
      %broadcast_in_dim3A_594 = vector.broadcast %jit3A_593 : i32 to vector<16xi32>
      %select_n3A_595 = arith.select %gt3A_591, %broadcast_in_dim3A_594, %select_n3A_586 : vector<16xi1>, vector<16xi32>
      %get3A_596 = arith.constant 31 : i32
      %get3A_597 = arith.index_cast %get3A_596 : i32 to index
      %get3A_598 = arith.index_cast %add3A_319 : i32 to index
      %get3A_599 = tpu.vector_load %arg4[%get3A_597, %get3A_598] {strides = array<i32>} : memref<32x1152xf32, #tpu.memory_space<vmem>>, vector<16xf32>,
      %gt3A_600 = arith.cmpf ogt, %get3A_599, %select_n3A_592 : vector<16xf32>
      %select_n3A_601 = arith.select %gt3A_600, %get3A_599, %select_n3A_592 : vector<16xi1>, vector<16xf32>
      %jit3A_602 = arith.constant 31 : i32
      %broadcast_in_dim3A_603 = vector.broadcast %jit3A_602 : i32 to vector<16xi32>
      %select_n3A_604 = arith.select %gt3A_600, %broadcast_in_dim3A_603, %select_n3A_595 : vector<16xi1>, vector<16xi32>
      %add3A_605 = arith.constant 16 : i32
      %add3A_606 = arith.addi %add3A_319, %add3A_605 : i32
      %get3A_607 = arith.constant 0 : i32
      %get3A_608 = arith.index_cast %get3A_607 : i32 to index
      %get3A_609 = arith.index_cast %add3A_606 : i32 to index
      %get3A_610 = tpu.vector_load %arg4[%get3A_608, %get3A_609] {strides = array<i32>} : memref<32x1152xf32, #tpu.memory_space<vmem>>, vector<16xf32>,
      %broadcast_in_dim3A_611 = arith.constant 0 : i32
      %broadcast_in_dim3A_612 = vector.broadcast %broadcast_in_dim3A_611 : i32 to vector<16xi32>
      %get3A_613 = arith.constant 1 : i32
      %get3A_614 = arith.index_cast %get3A_613 : i32 to index
      %get3A_615 = arith.index_cast %add3A_606 : i32 to index
      %get3A_616 = tpu.vector_load %arg4[%get3A_614, %get3A_615] {strides = array<i32>} : memref<32x1152xf32, #tpu.memory_space<vmem>>, vector<16xf32>,
      %gt3A_617 = arith.cmpf ogt, %get3A_616, %get3A_610 : vector<16xf32>
      %select_n3A_618 = arith.select %gt3A_617, %get3A_616, %get3A_610 : vector<16xi1>, vector<16xf32>
      %jit3A_619 = arith.constant 1 : i32
      %broadcast_in_dim3A_620 = vector.broadcast %jit3A_619 : i32 to vector<16xi32>
      %select_n3A_621 = arith.select %gt3A_617, %broadcast_in_dim3A_620, %broadcast_in_dim3A_612 : vector<16xi1>, vector<16xi32>
      %get3A_622 = arith.constant 2 : i32
      %get3A_623 = arith.index_cast %get3A_622 : i32 to index
      %get3A_624 = arith.index_cast %add3A_606 : i32 to index
      %get3A_625 = tpu.vector_load %arg4[%get3A_623, %get3A_624] {strides = array<i32>} : memref<32x1152xf32, #tpu.memory_space<vmem>>, vector<16xf32>,
      %gt3A_626 = arith.cmpf ogt, %get3A_625, %select_n3A_618 : vector<16xf32>
      %select_n3A_627 = arith.select %gt3A_626, %get3A_625, %select_n3A_618 : vector<16xi1>, vector<16xf32>
      %jit3A_628 = arith.constant 2 : i32
      %broadcast_in_dim3A_629 = vector.broadcast %jit3A_628 : i32 to vector<16xi32>
      %select_n3A_630 = arith.select %gt3A_626, %broadcast_in_dim3A_629, %select_n3A_621 : vector<16xi1>, vector<16xi32>
      %get3A_631 = arith.constant 3 : i32
      %get3A_632 = arith.index_cast %get3A_631 : i32 to index
      %get3A_633 = arith.index_cast %add3A_606 : i32 to index
      %get3A_634 = tpu.vector_load %arg4[%get3A_632, %get3A_633] {strides = array<i32>} : memref<32x1152xf32, #tpu.memory_space<vmem>>, vector<16xf32>,
      %gt3A_635 = arith.cmpf ogt, %get3A_634, %select_n3A_627 : vector<16xf32>
      %select_n3A_636 = arith.select %gt3A_635, %get3A_634, %select_n3A_627 : vector<16xi1>, vector<16xf32>
      %jit3A_637 = arith.constant 3 : i32
      %broadcast_in_dim3A_638 = vector.broadcast %jit3A_637 : i32 to vector<16xi32>
      %select_n3A_639 = arith.select %gt3A_635, %broadcast_in_dim3A_638, %select_n3A_630 : vector<16xi1>, vector<16xi32>
      %get3A_640 = arith.constant 4 : i32
      %get3A_641 = arith.index_cast %get3A_640 : i32 to index
      %get3A_642 = arith.index_cast %add3A_606 : i32 to index
      %get3A_643 = tpu.vector_load %arg4[%get3A_641, %get3A_642] {strides = array<i32>} : memref<32x1152xf32, #tpu.memory_space<vmem>>, vector<16xf32>,
      %gt3A_644 = arith.cmpf ogt, %get3A_643, %select_n3A_636 : vector<16xf32>
      %select_n3A_645 = arith.select %gt3A_644, %get3A_643, %select_n3A_636 : vector<16xi1>, vector<16xf32>
      %jit3A_646 = arith.constant 4 : i32
      %broadcast_in_dim3A_647 = vector.broadcast %jit3A_646 : i32 to vector<16xi32>
      %select_n3A_648 = arith.select %gt3A_644, %broadcast_in_dim3A_647, %select_n3A_639 : vector<16xi1>, vector<16xi32>
      %get3A_649 = arith.constant 5 : i32
      %get3A_650 = arith.index_cast %get3A_649 : i32 to index
      %get3A_651 = arith.index_cast %add3A_606 : i32 to index
      %get3A_652 = tpu.vector_load %arg4[%get3A_650, %get3A_651] {strides = array<i32>} : memref<32x1152xf32, #tpu.memory_space<vmem>>, vector<16xf32>,
      %gt3A_653 = arith.cmpf ogt, %get3A_652, %select_n3A_645 : vector<16xf32>
      %select_n3A_654 = arith.select %gt3A_653, %get3A_652, %select_n3A_645 : vector<16xi1>, vector<16xf32>
      %jit3A_655 = arith.constant 5 : i32
      %broadcast_in_dim3A_656 = vector.broadcast %jit3A_655 : i32 to vector<16xi32>
      %select_n3A_657 = arith.select %gt3A_653, %broadcast_in_dim3A_656, %select_n3A_648 : vector<16xi1>, vector<16xi32>
      %get3A_658 = arith.constant 6 : i32
      %get3A_659 = arith.index_cast %get3A_658 : i32 to index
      %get3A_660 = arith.index_cast %add3A_606 : i32 to index
      %get3A_661 = tpu.vector_load %arg4[%get3A_659, %get3A_660] {strides = array<i32>} : memref<32x1152xf32, #tpu.memory_space<vmem>>, vector<16xf32>,
      %gt3A_662 = arith.cmpf ogt, %get3A_661, %select_n3A_654 : vector<16xf32>
      %select_n3A_663 = arith.select %gt3A_662, %get3A_661, %select_n3A_654 : vector<16xi1>, vector<16xf32>
      %jit3A_664 = arith.constant 6 : i32
      %broadcast_in_dim3A_665 = vector.broadcast %jit3A_664 : i32 to vector<16xi32>
      %select_n3A_666 = arith.select %gt3A_662, %broadcast_in_dim3A_665, %select_n3A_657 : vector<16xi1>, vector<16xi32>
      %get3A_667 = arith.constant 7 : i32
      %get3A_668 = arith.index_cast %get3A_667 : i32 to index
      %get3A_669 = arith.index_cast %add3A_606 : i32 to index
      %get3A_670 = tpu.vector_load %arg4[%get3A_668, %get3A_669] {strides = array<i32>} : memref<32x1152xf32, #tpu.memory_space<vmem>>, vector<16xf32>,
      %gt3A_671 = arith.cmpf ogt, %get3A_670, %select_n3A_663 : vector<16xf32>
      %select_n3A_672 = arith.select %gt3A_671, %get3A_670, %select_n3A_663 : vector<16xi1>, vector<16xf32>
      %jit3A_673 = arith.constant 7 : i32
      %broadcast_in_dim3A_674 = vector.broadcast %jit3A_673 : i32 to vector<16xi32>
      %select_n3A_675 = arith.select %gt3A_671, %broadcast_in_dim3A_674, %select_n3A_666 : vector<16xi1>, vector<16xi32>
      %get3A_676 = arith.constant 8 : i32
      %get3A_677 = arith.index_cast %get3A_676 : i32 to index
      %get3A_678 = arith.index_cast %add3A_606 : i32 to index
      %get3A_679 = tpu.vector_load %arg4[%get3A_677, %get3A_678] {strides = array<i32>} : memref<32x1152xf32, #tpu.memory_space<vmem>>, vector<16xf32>,
      %gt3A_680 = arith.cmpf ogt, %get3A_679, %select_n3A_672 : vector<16xf32>
      %select_n3A_681 = arith.select %gt3A_680, %get3A_679, %select_n3A_672 : vector<16xi1>, vector<16xf32>
      %jit3A_682 = arith.constant 8 : i32
      %broadcast_in_dim3A_683 = vector.broadcast %jit3A_682 : i32 to vector<16xi32>
      %select_n3A_684 = arith.select %gt3A_680, %broadcast_in_dim3A_683, %select_n3A_675 : vector<16xi1>, vector<16xi32>
      %get3A_685 = arith.constant 9 : i32
      %get3A_686 = arith.index_cast %get3A_685 : i32 to index
      %get3A_687 = arith.index_cast %add3A_606 : i32 to index
      %get3A_688 = tpu.vector_load %arg4[%get3A_686, %get3A_687] {strides = array<i32>} : memref<32x1152xf32, #tpu.memory_space<vmem>>, vector<16xf32>,
      %gt3A_689 = arith.cmpf ogt, %get3A_688, %select_n3A_681 : vector<16xf32>
      %select_n3A_690 = arith.select %gt3A_689, %get3A_688, %select_n3A_681 : vector<16xi1>, vector<16xf32>
      %jit3A_691 = arith.constant 9 : i32
      %broadcast_in_dim3A_692 = vector.broadcast %jit3A_691 : i32 to vector<16xi32>
      %select_n3A_693 = arith.select %gt3A_689, %broadcast_in_dim3A_692, %select_n3A_684 : vector<16xi1>, vector<16xi32>
      %get3A_694 = arith.constant 10 : i32
      %get3A_695 = arith.index_cast %get3A_694 : i32 to index
      %get3A_696 = arith.index_cast %add3A_606 : i32 to index
      %get3A_697 = tpu.vector_load %arg4[%get3A_695, %get3A_696] {strides = array<i32>} : memref<32x1152xf32, #tpu.memory_space<vmem>>, vector<16xf32>,
      %gt3A_698 = arith.cmpf ogt, %get3A_697, %select_n3A_690 : vector<16xf32>
      %select_n3A_699 = arith.select %gt3A_698, %get3A_697, %select_n3A_690 : vector<16xi1>, vector<16xf32>
      %jit3A_700 = arith.constant 10 : i32
      %broadcast_in_dim3A_701 = vector.broadcast %jit3A_700 : i32 to vector<16xi32>
      %select_n3A_702 = arith.select %gt3A_698, %broadcast_in_dim3A_701, %select_n3A_693 : vector<16xi1>, vector<16xi32>
      %get3A_703 = arith.constant 11 : i32
      %get3A_704 = arith.index_cast %get3A_703 : i32 to index
      %get3A_705 = arith.index_cast %add3A_606 : i32 to index
      %get3A_706 = tpu.vector_load %arg4[%get3A_704, %get3A_705] {strides = array<i32>} : memref<32x1152xf32, #tpu.memory_space<vmem>>, vector<16xf32>,
      %gt3A_707 = arith.cmpf ogt, %get3A_706, %select_n3A_699 : vector<16xf32>
      %select_n3A_708 = arith.select %gt3A_707, %get3A_706, %select_n3A_699 : vector<16xi1>, vector<16xf32>
      %jit3A_709 = arith.constant 11 : i32
      %broadcast_in_dim3A_710 = vector.broadcast %jit3A_709 : i32 to vector<16xi32>
      %select_n3A_711 = arith.select %gt3A_707, %broadcast_in_dim3A_710, %select_n3A_702 : vector<16xi1>, vector<16xi32>
      %get3A_712 = arith.constant 12 : i32
      %get3A_713 = arith.index_cast %get3A_712 : i32 to index
      %get3A_714 = arith.index_cast %add3A_606 : i32 to index
      %get3A_715 = tpu.vector_load %arg4[%get3A_713, %get3A_714] {strides = array<i32>} : memref<32x1152xf32, #tpu.memory_space<vmem>>, vector<16xf32>,
      %gt3A_716 = arith.cmpf ogt, %get3A_715, %select_n3A_708 : vector<16xf32>
      %select_n3A_717 = arith.select %gt3A_716, %get3A_715, %select_n3A_708 : vector<16xi1>, vector<16xf32>
      %jit3A_718 = arith.constant 12 : i32
      %broadcast_in_dim3A_719 = vector.broadcast %jit3A_718 : i32 to vector<16xi32>
      %select_n3A_720 = arith.select %gt3A_716, %broadcast_in_dim3A_719, %select_n3A_711 : vector<16xi1>, vector<16xi32>
      %get3A_721 = arith.constant 13 : i32
      %get3A_722 = arith.index_cast %get3A_721 : i32 to index
      %get3A_723 = arith.index_cast %add3A_606 : i32 to index
      %get3A_724 = tpu.vector_load %arg4[%get3A_722, %get3A_723] {strides = array<i32>} : memref<32x1152xf32, #tpu.memory_space<vmem>>, vector<16xf32>,
      %gt3A_725 = arith.cmpf ogt, %get3A_724, %select_n3A_717 : vector<16xf32>
      %select_n3A_726 = arith.select %gt3A_725, %get3A_724, %select_n3A_717 : vector<16xi1>, vector<16xf32>
      %jit3A_727 = arith.constant 13 : i32
      %broadcast_in_dim3A_728 = vector.broadcast %jit3A_727 : i32 to vector<16xi32>
      %select_n3A_729 = arith.select %gt3A_725, %broadcast_in_dim3A_728, %select_n3A_720 : vector<16xi1>, vector<16xi32>
      %get3A_730 = arith.constant 14 : i32
      %get3A_731 = arith.index_cast %get3A_730 : i32 to index
      %get3A_732 = arith.index_cast %add3A_606 : i32 to index
      %get3A_733 = tpu.vector_load %arg4[%get3A_731, %get3A_732] {strides = array<i32>} : memref<32x1152xf32, #tpu.memory_space<vmem>>, vector<16xf32>,
      %gt3A_734 = arith.cmpf ogt, %get3A_733, %select_n3A_726 : vector<16xf32>
      %select_n3A_735 = arith.select %gt3A_734, %get3A_733, %select_n3A_726 : vector<16xi1>, vector<16xf32>
      %jit3A_736 = arith.constant 14 : i32
      %broadcast_in_dim3A_737 = vector.broadcast %jit3A_736 : i32 to vector<16xi32>
      %select_n3A_738 = arith.select %gt3A_734, %broadcast_in_dim3A_737, %select_n3A_729 : vector<16xi1>, vector<16xi32>
      %get3A_739 = arith.constant 15 : i32
      %get3A_740 = arith.index_cast %get3A_739 : i32 to index
      %get3A_741 = arith.index_cast %add3A_606 : i32 to index
      %get3A_742 = tpu.vector_load %arg4[%get3A_740, %get3A_741] {strides = array<i32>} : memref<32x1152xf32, #tpu.memory_space<vmem>>, vector<16xf32>,
      %gt3A_743 = arith.cmpf ogt, %get3A_742, %select_n3A_735 : vector<16xf32>
      %select_n3A_744 = arith.select %gt3A_743, %get3A_742, %select_n3A_735 : vector<16xi1>, vector<16xf32>
      %jit3A_745 = arith.constant 15 : i32
      %broadcast_in_dim3A_746 = vector.broadcast %jit3A_745 : i32 to vector<16xi32>
      %select_n3A_747 = arith.select %gt3A_743, %broadcast_in_dim3A_746, %select_n3A_738 : vector<16xi1>, vector<16xi32>
      %get3A_748 = arith.constant 16 : i32
      %get3A_749 = arith.index_cast %get3A_748 : i32 to index
      %get3A_750 = arith.index_cast %add3A_606 : i32 to index
      %get3A_751 = tpu.vector_load %arg4[%get3A_749, %get3A_750] {strides = array<i32>} : memref<32x1152xf32, #tpu.memory_space<vmem>>, vector<16xf32>,
      %gt3A_752 = arith.cmpf ogt, %get3A_751, %select_n3A_744 : vector<16xf32>
      %select_n3A_753 = arith.select %gt3A_752, %get3A_751, %select_n3A_744 : vector<16xi1>, vector<16xf32>
      %jit3A_754 = arith.constant 16 : i32
      %broadcast_in_dim3A_755 = vector.broadcast %jit3A_754 : i32 to vector<16xi32>
      %select_n3A_756 = arith.select %gt3A_752, %broadcast_in_dim3A_755, %select_n3A_747 : vector<16xi1>, vector<16xi32>
      %get3A_757 = arith.constant 17 : i32
      %get3A_758 = arith.index_cast %get3A_757 : i32 to index
      %get3A_759 = arith.index_cast %add3A_606 : i32 to index
      %get3A_760 = tpu.vector_load %arg4[%get3A_758, %get3A_759] {strides = array<i32>} : memref<32x1152xf32, #tpu.memory_space<vmem>>, vector<16xf32>,
      %gt3A_761 = arith.cmpf ogt, %get3A_760, %select_n3A_753 : vector<16xf32>
      %select_n3A_762 = arith.select %gt3A_761, %get3A_760, %select_n3A_753 : vector<16xi1>, vector<16xf32>
      %jit3A_763 = arith.constant 17 : i32
      %broadcast_in_dim3A_764 = vector.broadcast %jit3A_763 : i32 to vector<16xi32>
      %select_n3A_765 = arith.select %gt3A_761, %broadcast_in_dim3A_764, %select_n3A_756 : vector<16xi1>, vector<16xi32>
      %get3A_766 = arith.constant 18 : i32
      %get3A_767 = arith.index_cast %get3A_766 : i32 to index
      %get3A_768 = arith.index_cast %add3A_606 : i32 to index
      %get3A_769 = tpu.vector_load %arg4[%get3A_767, %get3A_768] {strides = array<i32>} : memref<32x1152xf32, #tpu.memory_space<vmem>>, vector<16xf32>,
      %gt3A_770 = arith.cmpf ogt, %get3A_769, %select_n3A_762 : vector<16xf32>
      %select_n3A_771 = arith.select %gt3A_770, %get3A_769, %select_n3A_762 : vector<16xi1>, vector<16xf32>
      %jit3A_772 = arith.constant 18 : i32
      %broadcast_in_dim3A_773 = vector.broadcast %jit3A_772 : i32 to vector<16xi32>
      %select_n3A_774 = arith.select %gt3A_770, %broadcast_in_dim3A_773, %select_n3A_765 : vector<16xi1>, vector<16xi32>
      %get3A_775 = arith.constant 19 : i32
      %get3A_776 = arith.index_cast %get3A_775 : i32 to index
      %get3A_777 = arith.index_cast %add3A_606 : i32 to index
      %get3A_778 = tpu.vector_load %arg4[%get3A_776, %get3A_777] {strides = array<i32>} : memref<32x1152xf32, #tpu.memory_space<vmem>>, vector<16xf32>,
      %gt3A_779 = arith.cmpf ogt, %get3A_778, %select_n3A_771 : vector<16xf32>
      %select_n3A_780 = arith.select %gt3A_779, %get3A_778, %select_n3A_771 : vector<16xi1>, vector<16xf32>
      %jit3A_781 = arith.constant 19 : i32
      %broadcast_in_dim3A_782 = vector.broadcast %jit3A_781 : i32 to vector<16xi32>
      %select_n3A_783 = arith.select %gt3A_779, %broadcast_in_dim3A_782, %select_n3A_774 : vector<16xi1>, vector<16xi32>
      %get3A_784 = arith.constant 20 : i32
      %get3A_785 = arith.index_cast %get3A_784 : i32 to index
      %get3A_786 = arith.index_cast %add3A_606 : i32 to index
      %get3A_787 = tpu.vector_load %arg4[%get3A_785, %get3A_786] {strides = array<i32>} : memref<32x1152xf32, #tpu.memory_space<vmem>>, vector<16xf32>,
      %gt3A_788 = arith.cmpf ogt, %get3A_787, %select_n3A_780 : vector<16xf32>
      %select_n3A_789 = arith.select %gt3A_788, %get3A_787, %select_n3A_780 : vector<16xi1>, vector<16xf32>
      %jit3A_790 = arith.constant 20 : i32
      %broadcast_in_dim3A_791 = vector.broadcast %jit3A_790 : i32 to vector<16xi32>
      %select_n3A_792 = arith.select %gt3A_788, %broadcast_in_dim3A_791, %select_n3A_783 : vector<16xi1>, vector<16xi32>
      %get3A_793 = arith.constant 21 : i32
      %get3A_794 = arith.index_cast %get3A_793 : i32 to index
      %get3A_795 = arith.index_cast %add3A_606 : i32 to index
      %get3A_796 = tpu.vector_load %arg4[%get3A_794, %get3A_795] {strides = array<i32>} : memref<32x1152xf32, #tpu.memory_space<vmem>>, vector<16xf32>,
      %gt3A_797 = arith.cmpf ogt, %get3A_796, %select_n3A_789 : vector<16xf32>
      %select_n3A_798 = arith.select %gt3A_797, %get3A_796, %select_n3A_789 : vector<16xi1>, vector<16xf32>
      %jit3A_799 = arith.constant 21 : i32
      %broadcast_in_dim3A_800 = vector.broadcast %jit3A_799 : i32 to vector<16xi32>
      %select_n3A_801 = arith.select %gt3A_797, %broadcast_in_dim3A_800, %select_n3A_792 : vector<16xi1>, vector<16xi32>
      %get3A_802 = arith.constant 22 : i32
      %get3A_803 = arith.index_cast %get3A_802 : i32 to index
      %get3A_804 = arith.index_cast %add3A_606 : i32 to index
      %get3A_805 = tpu.vector_load %arg4[%get3A_803, %get3A_804] {strides = array<i32>} : memref<32x1152xf32, #tpu.memory_space<vmem>>, vector<16xf32>,
      %gt3A_806 = arith.cmpf ogt, %get3A_805, %select_n3A_798 : vector<16xf32>
      %select_n3A_807 = arith.select %gt3A_806, %get3A_805, %select_n3A_798 : vector<16xi1>, vector<16xf32>
      %jit3A_808 = arith.constant 22 : i32
      %broadcast_in_dim3A_809 = vector.broadcast %jit3A_808 : i32 to vector<16xi32>
      %select_n3A_810 = arith.select %gt3A_806, %broadcast_in_dim3A_809, %select_n3A_801 : vector<16xi1>, vector<16xi32>
      %get3A_811 = arith.constant 23 : i32
      %get3A_812 = arith.index_cast %get3A_811 : i32 to index
      %get3A_813 = arith.index_cast %add3A_606 : i32 to index
      %get3A_814 = tpu.vector_load %arg4[%get3A_812, %get3A_813] {strides = array<i32>} : memref<32x1152xf32, #tpu.memory_space<vmem>>, vector<16xf32>,
      %gt3A_815 = arith.cmpf ogt, %get3A_814, %select_n3A_807 : vector<16xf32>
      %select_n3A_816 = arith.select %gt3A_815, %get3A_814, %select_n3A_807 : vector<16xi1>, vector<16xf32>
      %jit3A_817 = arith.constant 23 : i32
      %broadcast_in_dim3A_818 = vector.broadcast %jit3A_817 : i32 to vector<16xi32>
      %select_n3A_819 = arith.select %gt3A_815, %broadcast_in_dim3A_818, %select_n3A_810 : vector<16xi1>, vector<16xi32>
      %get3A_820 = arith.constant 24 : i32
      %get3A_821 = arith.index_cast %get3A_820 : i32 to index
      %get3A_822 = arith.index_cast %add3A_606 : i32 to index
      %get3A_823 = tpu.vector_load %arg4[%get3A_821, %get3A_822] {strides = array<i32>} : memref<32x1152xf32, #tpu.memory_space<vmem>>, vector<16xf32>,
      %gt3A_824 = arith.cmpf ogt, %get3A_823, %select_n3A_816 : vector<16xf32>
      %select_n3A_825 = arith.select %gt3A_824, %get3A_823, %select_n3A_816 : vector<16xi1>, vector<16xf32>
      %jit3A_826 = arith.constant 24 : i32
      %broadcast_in_dim3A_827 = vector.broadcast %jit3A_826 : i32 to vector<16xi32>
      %select_n3A_828 = arith.select %gt3A_824, %broadcast_in_dim3A_827, %select_n3A_819 : vector<16xi1>, vector<16xi32>
      %get3A_829 = arith.constant 25 : i32
      %get3A_830 = arith.index_cast %get3A_829 : i32 to index
      %get3A_831 = arith.index_cast %add3A_606 : i32 to index
      %get3A_832 = tpu.vector_load %arg4[%get3A_830, %get3A_831] {strides = array<i32>} : memref<32x1152xf32, #tpu.memory_space<vmem>>, vector<16xf32>,
      %gt3A_833 = arith.cmpf ogt, %get3A_832, %select_n3A_825 : vector<16xf32>
      %select_n3A_834 = arith.select %gt3A_833, %get3A_832, %select_n3A_825 : vector<16xi1>, vector<16xf32>
      %jit3A_835 = arith.constant 25 : i32
      %broadcast_in_dim3A_836 = vector.broadcast %jit3A_835 : i32 to vector<16xi32>
      %select_n3A_837 = arith.select %gt3A_833, %broadcast_in_dim3A_836, %select_n3A_828 : vector<16xi1>, vector<16xi32>
      %get3A_838 = arith.constant 26 : i32
      %get3A_839 = arith.index_cast %get3A_838 : i32 to index
      %get3A_840 = arith.index_cast %add3A_606 : i32 to index
      %get3A_841 = tpu.vector_load %arg4[%get3A_839, %get3A_840] {strides = array<i32>} : memref<32x1152xf32, #tpu.memory_space<vmem>>, vector<16xf32>,
      %gt3A_842 = arith.cmpf ogt, %get3A_841, %select_n3A_834 : vector<16xf32>
      %select_n3A_843 = arith.select %gt3A_842, %get3A_841, %select_n3A_834 : vector<16xi1>, vector<16xf32>
      %jit3A_844 = arith.constant 26 : i32
      %broadcast_in_dim3A_845 = vector.broadcast %jit3A_844 : i32 to vector<16xi32>
      %select_n3A_846 = arith.select %gt3A_842, %broadcast_in_dim3A_845, %select_n3A_837 : vector<16xi1>, vector<16xi32>
      %get3A_847 = arith.constant 27 : i32
      %get3A_848 = arith.index_cast %get3A_847 : i32 to index
      %get3A_849 = arith.index_cast %add3A_606 : i32 to index
      %get3A_850 = tpu.vector_load %arg4[%get3A_848, %get3A_849] {strides = array<i32>} : memref<32x1152xf32, #tpu.memory_space<vmem>>, vector<16xf32>,
      %gt3A_851 = arith.cmpf ogt, %get3A_850, %select_n3A_843 : vector<16xf32>
      %select_n3A_852 = arith.select %gt3A_851, %get3A_850, %select_n3A_843 : vector<16xi1>, vector<16xf32>
      %jit3A_853 = arith.constant 27 : i32
      %broadcast_in_dim3A_854 = vector.broadcast %jit3A_853 : i32 to vector<16xi32>
      %select_n3A_855 = arith.select %gt3A_851, %broadcast_in_dim3A_854, %select_n3A_846 : vector<16xi1>, vector<16xi32>
      %get3A_856 = arith.constant 28 : i32
      %get3A_857 = arith.index_cast %get3A_856 : i32 to index
      %get3A_858 = arith.index_cast %add3A_606 : i32 to index
      %get3A_859 = tpu.vector_load %arg4[%get3A_857, %get3A_858] {strides = array<i32>} : memref<32x1152xf32, #tpu.memory_space<vmem>>, vector<16xf32>,
      %gt3A_860 = arith.cmpf ogt, %get3A_859, %select_n3A_852 : vector<16xf32>
      %select_n3A_861 = arith.select %gt3A_860, %get3A_859, %select_n3A_852 : vector<16xi1>, vector<16xf32>
      %jit3A_862 = arith.constant 28 : i32
      %broadcast_in_dim3A_863 = vector.broadcast %jit3A_862 : i32 to vector<16xi32>
      %select_n3A_864 = arith.select %gt3A_860, %broadcast_in_dim3A_863, %select_n3A_855 : vector<16xi1>, vector<16xi32>
      %get3A_865 = arith.constant 29 : i32
      %get3A_866 = arith.index_cast %get3A_865 : i32 to index
      %get3A_867 = arith.index_cast %add3A_606 : i32 to index
      %get3A_868 = tpu.vector_load %arg4[%get3A_866, %get3A_867] {strides = array<i32>} : memref<32x1152xf32, #tpu.memory_space<vmem>>, vector<16xf32>,
      %gt3A_869 = arith.cmpf ogt, %get3A_868, %select_n3A_861 : vector<16xf32>
      %select_n3A_870 = arith.select %gt3A_869, %get3A_868, %select_n3A_861 : vector<16xi1>, vector<16xf32>
      %jit3A_871 = arith.constant 29 : i32
      %broadcast_in_dim3A_872 = vector.broadcast %jit3A_871 : i32 to vector<16xi32>
      %select_n3A_873 = arith.select %gt3A_869, %broadcast_in_dim3A_872, %select_n3A_864 : vector<16xi1>, vector<16xi32>
      %get3A_874 = arith.constant 30 : i32
      %get3A_875 = arith.index_cast %get3A_874 : i32 to index
      %get3A_876 = arith.index_cast %add3A_606 : i32 to index
      %get3A_877 = tpu.vector_load %arg4[%get3A_875, %get3A_876] {strides = array<i32>} : memref<32x1152xf32, #tpu.memory_space<vmem>>, vector<16xf32>,
      %gt3A_878 = arith.cmpf ogt, %get3A_877, %select_n3A_870 : vector<16xf32>
      %select_n3A_879 = arith.select %gt3A_878, %get3A_877, %select_n3A_870 : vector<16xi1>, vector<16xf32>
      %jit3A_880 = arith.constant 30 : i32
      %broadcast_in_dim3A_881 = vector.broadcast %jit3A_880 : i32 to vector<16xi32>
      %select_n3A_882 = arith.select %gt3A_878, %broadcast_in_dim3A_881, %select_n3A_873 : vector<16xi1>, vector<16xi32>
      %get3A_883 = arith.constant 31 : i32
      %get3A_884 = arith.index_cast %get3A_883 : i32 to index
      %get3A_885 = arith.index_cast %add3A_606 : i32 to index
      %get3A_886 = tpu.vector_load %arg4[%get3A_884, %get3A_885] {strides = array<i32>} : memref<32x1152xf32, #tpu.memory_space<vmem>>, vector<16xf32>,
      %gt3A_887 = arith.cmpf ogt, %get3A_886, %select_n3A_879 : vector<16xf32>
      %select_n3A_888 = arith.select %gt3A_887, %get3A_886, %select_n3A_879 : vector<16xi1>, vector<16xf32>
      %jit3A_889 = arith.constant 31 : i32
      %broadcast_in_dim3A_890 = vector.broadcast %jit3A_889 : i32 to vector<16xi32>
      %select_n3A_891 = arith.select %gt3A_887, %broadcast_in_dim3A_890, %select_n3A_882 : vector<16xi1>, vector<16xi32>
      %broadcast_in_dim3A_892 = vector.shape_cast %add3A_15 : vector<16xi32> to vector<16x1xi32>
      %gather3A = vector.shape_cast %broadcast_in_dim3A_892 : vector<16x1xi32> to vector<16xi32>
      %gather3A_893 = tpu.dynamic_gather %scan3A_316[%gather3A] in [0] : vector<16xi32>, vector<16xi32> -> vector<16xi32>
      %broadcast_in_dim3A_894 = vector.shape_cast %max3A_9 : vector<16xi32> to vector<16x1xi32>
      %gather3A_895 = vector.shape_cast %broadcast_in_dim3A_894 : vector<16x1xi32> to vector<16xi32>
      %gather3A_896 = tpu.dynamic_gather %select_n3A_604[%gather3A_895] in [0] : vector<16xi32>, vector<16xi32> -> vector<16xi32>
      %select_n3A_897 = arith.select %eq3A_17, %gather3A_893, %gather3A_896 : vector<16xi1>, vector<16xi32>
      %ne3A = arith.cmpi ne, %select_n3A_604, %select_n3A_897 : vector<16xi32>
      %ne3A_898 = arith.constant 0 : i32
      %ne3A_899 = vector.broadcast %ne3A_898 : i32 to vector<16xi32>
      %ne3A_900 = arith.cmpi ne, %select_n3A_604, %ne3A_899 : vector<16xi32>
      %and3A = arith.andi %ne3A, %ne3A_900 : vector<16xi1>
      %jit3A_901 = arith.constant -1 : i32
      %broadcast_in_dim3A_902 = vector.broadcast %jit3A_901 : i32 to vector<16xi32>
      %select_n3A_903 = arith.select %and3A, %select_n3A_604, %broadcast_in_dim3A_902 : vector<16xi1>, vector<16xi32>
      %mul3A_904 = arith.constant 32 : i32
      %mul3A_905 = arith.muli %scan3A_315, %mul3A_904 : i32
      %swap3A = arith.index_cast %mul3A_905 : i32 to index
      %swap3A_906 = tpu.vector_load %arg5[%swap3A] {strides = array<i32>} : memref<1024xi32, #tpu.memory_space<vmem>>, vector<16xi32>,
      tpu.vector_store %arg5[%swap3A], %select_n3A_903 {strides = array<i32>} : memref<1024xi32, #tpu.memory_space<vmem>>, vector<16xi32>,
      %broadcast_in_dim3A_907 = vector.shape_cast %add3A_15 : vector<16xi32> to vector<16x1xi32>
      %gather3A_908 = vector.shape_cast %broadcast_in_dim3A_907 : vector<16x1xi32> to vector<16xi32>
      %gather3A_909 = tpu.dynamic_gather %select_n3A_604[%gather3A_908] in [0] : vector<16xi32>, vector<16xi32> -> vector<16xi32>
      %broadcast_in_dim3A_910 = vector.shape_cast %max3A_9 : vector<16xi32> to vector<16x1xi32>
      %gather3A_911 = vector.shape_cast %broadcast_in_dim3A_910 : vector<16x1xi32> to vector<16xi32>
      %gather3A_912 = tpu.dynamic_gather %select_n3A_891[%gather3A_911] in [0] : vector<16xi32>, vector<16xi32> -> vector<16xi32>
      %select_n3A_913 = arith.select %eq3A_17, %gather3A_909, %gather3A_912 : vector<16xi1>, vector<16xi32>
      %ne3A_914 = arith.cmpi ne, %select_n3A_891, %select_n3A_913 : vector<16xi32>
      %ne3A_915 = arith.constant 0 : i32
      %ne3A_916 = vector.broadcast %ne3A_915 : i32 to vector<16xi32>
      %ne3A_917 = arith.cmpi ne, %select_n3A_891, %ne3A_916 : vector<16xi32>
      %and3A_918 = arith.andi %ne3A_914, %ne3A_917 : vector<16xi1>
      %jit3A_919 = arith.constant -1 : i32
      %broadcast_in_dim3A_920 = vector.broadcast %jit3A_919 : i32 to vector<16xi32>
      %select_n3A_921 = arith.select %and3A_918, %select_n3A_891, %broadcast_in_dim3A_920 : vector<16xi1>, vector<16xi32>
      %mul3A_922 = arith.constant 32 : i32
      %mul3A_923 = arith.muli %scan3A_315, %mul3A_922 : i32
      %add3A_924 = arith.constant 16 : i32
      %add3A_925 = arith.addi %mul3A_923, %add3A_924 : i32
      %swap3A_926 = arith.index_cast %add3A_925 : i32 to index
      %swap3A_927 = tpu.vector_load %arg5[%swap3A_926] {strides = array<i32>} : memref<1024xi32, #tpu.memory_space<vmem>>, vector<16xi32>,
      tpu.vector_store %arg5[%swap3A_926], %select_n3A_921 {strides = array<i32>} : memref<1024xi32, #tpu.memory_space<vmem>>, vector<16xi32>,
      scf.yield %select_n3A_891 : vector<16xi32>
    }
    %scan3A_314 = arith.constant 32 : i32
    "tpu.region"() ({
      %run_scoped3A = tpu.sem_alloc : memref<!tpu.dma_semaphore, #tpu.memory_space<semaphore_mem>>
      %dma_start3A = tpu.memref_slice %arg3[%mul3A_2] : memref<32768xi32, #tpu.memory_space<hbm>> -> memref<1024xi32, #tpu.memory_space<hbm>>
      %dma_start3A_315 = tpu.memref_slice %arg3[%mul3A_2] : memref<32768xi32, #tpu.memory_space<hbm>> -> memref<1024xi32, #tpu.memory_space<hbm>>
      tpu.enqueue_dma source(%arg5 : memref<1024xi32, #tpu.memory_space<vmem>>) target(%dma_start3A_315 : memref<1024xi32, #tpu.memory_space<hbm>>) target_semaphore(%run_scoped3A : memref<!tpu.dma_semaphore, #tpu.memory_space<semaphore_mem>>)
      %dma_wait3A = tpu.memref_slice %arg3[%mul3A_2] : memref<32768xi32, #tpu.memory_space<hbm>> -> memref<1024xi32, #tpu.memory_space<hbm>>
      %dma_wait3A_316 = tpu.memref_slice %arg3[%mul3A_2] : memref<32768xi32, #tpu.memory_space<hbm>> -> memref<1024xi32, #tpu.memory_space<hbm>>
      tpu.wait_dma2 semaphore(%run_scoped3A : memref<!tpu.dma_semaphore, #tpu.memory_space<semaphore_mem>>) src(%arg5 : memref<1024xi32, #tpu.memory_space<vmem>>) dst(%dma_wait3A_316 : memref<1024xi32, #tpu.memory_space<hbm>>)
      tpu.yield
    }) : () -> ()
    return
  }
}

</mosaic_0001>

<sc_bundles>
// kernel: kernel.3.cloned.1.call-start
scs
__scs_entry_jumppad:
0x0: {  	(pc) =	sbr.rel $0x88, $3  }
0x1: {  	(tag) =	ssettag $0x0;
	lr =	simm.s32 $0x1  }
0x2: {  	[smem:$0x3FA0] =	sst lr;
	_ =	strace $0xD0000000  }
0x3: {  	_ = 	snop  }
0x4: {  	_ = 	snop  }
0x5: {  	_ = 	snop  }
0x6: {  	_ = 	snop  }
0x7: {  	_ = 	snop  }
__scs_overlays_trampoline_lowered:
0x8: {  	[smem:$0x3FAF] =	sst s0  }
0x9: {  	[smem:$0x3FB0] =	sst s1  }
0xa: {  	[smem:$0x3FB1] =	sst s2  }
0xb: {  	[smem:$0x3FB2] =	sst s3  }
0xc: {  	[smem:$0x3FB3] =	sst s4  }
0xd: {  	[smem:$0x3FB4] =	sst s5  }
0xe: {  	[smem:$0x3FB5] =	sst s6  }
0xf: {  	[smem:$0x3FB6] =	sst s7  }
0x10: {  	[smem:$0x3FB7] =	sst s8  }
0x11: {  	[smem:$0x3FB8] =	sst s9;
	s0 =	simm.s32 @!p0 $0x0  }
0x12: {  	s1 =	sld [smem:$0x3F9E];
	s0 =	simm.s32 @p0 $0x1  }
0x13: {  	[smem:$0x3FB9] =	sst s0;
	s0 =	simm.s32 @!p1 $0x0  }
0x14: {  	s2 =	sld [smem:$0x3F9D];
	s0 =	simm.s32 @p1 $0x1  }
0x15: {  	[smem:$0x3FBA] =	sst s0;
	s0 =	simm.s32 @!p2 $0x0  }
0x16: {  	s3 =	sld [smem:$0x3FDB];
	s0 =	simm.s32 @p2 $0x1  }
0x17: {  	s4 =	simm.s32 $0x1BF5;
	[smem:$0x3FBC] =	sst s0  }
0x18: {  	s0 =	sld [smem:$0x3F9F];
	_ =	swait.ge [sflag:s4], $0x0  }
0x19: {  	s7 =	sld [smem:$0x3FA0]  }
0x1a: {  	s8 =	sadd.s32 $0xFFFFE003, lr  }
0x1b: {  	s9 =	sadd.s32 $0xFFFFFEF7, lr;
	s5 =	simm.s32 $0xFFFFFFFF;
	p2 =	slt.u32 s8, $0xFFFFF086  }
0x1c: {  	p1 =	slt.u32 s9, $0xF7A;
	s5 =	simm.s32 @!p2 $0x0  }
0x1d: {  	s5 =	simm.s32 @p1 $0x1;
	p0 =	seq.s32 s7, s2  }
0x1e: {  	s7 =	smul.u32 @!p0 $0xF7A, s2;
	p2 =	seq.s32 @!p0 s5, $0x0  }
0x1f: {  	s9 =	smul.u32 $0xF7A, s1;
	s8 =	simm.s32 @!p0 $0x1BF5;
	p2 =	por !p2, p0  }
0x20: {  	[sflag:s8] =	ssyncset.s32 @!p0 $0xFFFFF086;
	s6 =	sadd.s32 @!p0 s3, s7;
	s7 =	simm.s32 @!p0 $0x108  }
0x21: {  	s3 =	sadd.s32 s3, s9;
	s6 =	sadd.s32 @!p0 $0x88, s6;
	s7 =	simm.s32 @p2 $0x1082  }
0x22: {  	[simem:s7], [sflag:s8] =	dma.local @!p0 [hbm:s6], $0xF7A  }
0x23: {  	s9 =	sor.u32 $0xD0000000, s2;
	s6 =	simm.s32 $0x108;
	_ =	swait.ge @!p0 [sflag:s8], $0x0  }
0x24: {  	s3 =	sadd.s32 $0x88, s3;
	s6 =	simm.s32 @!p1 $0x1082;
	[sflag:s4] =	ssyncset.s32 $0xFFFFF086  }
0x25: {  	[simem:s6], [sflag:s4] =	dma.local [hbm:s3], $0xF7A  }
0x26: {  	[smem:$0x3FA0] =	sst s1;
	(tag) =	ssettag s2;
	_ =	strace s9  }
0x27: {  	s1 =	sld [smem:$0x3FB0]  }
0x28: {  	s2 =	sld [smem:$0x3FB1]  }
0x29: {  	s4 =	sld [smem:$0x3FB3]  }
0x2a: {  	p0 =	seq.s32 s5, $0x0;
	s5 =	sld [smem:$0x3FB4]  }
0x2b: {  	s6 =	sld [smem:$0x3FB5]  }
0x2c: {  	s7 =	sld [smem:$0x3FB6]  }
0x2d: {  	s3 =	simm.s32 $0x108;
	s8 =	sld [smem:$0x3FB7]  }
0x2e: {  	s3 =	simm.s32 @!p0 $0x1082;
	s9 =	sld [smem:$0x3FB8]  }
0x2f: {  	lr =	sadd.s32 s0, s3;
	s0 =	sld [smem:$0x3FAF]  }
0x30: {  	s3 =	sld [smem:$0x3FB2]  }
0x31: {  	[smem:$0x3FBB] =	sst s10  }
0x32: {  	s10 =	sld [smem:$0x3FB9];
	_ =	sdelay $0x3  }
0x33: {  	p0 =	seq.s32 s10, $0x1;
	s10 =	sld [smem:$0x3FBB];
	_ =	sdelay $0x3  }
0x34: {  	[smem:$0x3FBB] =	sst s10  }
0x35: {  	s10 =	sld [smem:$0x3FBA];
	_ =	sdelay $0x3  }
0x36: {  	p1 =	seq.s32 s10, $0x1;
	s10 =	sld [smem:$0x3FBB];
	_ =	sdelay $0x3  }
0x37: {  	[smem:$0x3FBB] =	sst s10  }
0x38: {  	s10 =	sld [smem:$0x3FBC]  }
0x39: {  	_ = 	snop;
	(pc) =	sbr.ind lr, $3  }
0x3a: {  	_ = 	snop  }
0x3b: {  	_ = 	snop  }
0x3c: {  	p2 =	seq.s32 s10, $0x1;
	s10 =	sld [smem:$0x3FBB]  }
0x3d: {  	_ =	shalt  }
0x3e: {  	_ =	shalt  }
0x3f: {  	_ =	shalt  }
0x40: {  	_ =	shalt  }
0x41: {  	_ =	shalt  }
0x42: {  	_ =	shalt  }
0x43: {  	_ =	shalt  }
0x44: {  	_ =	shalt  }
0x45: {  	_ =	shalt  }
0x46: {  	_ =	shalt  }
0x47: {  	_ =	shalt  }
0x48: {  	_ =	shalt  }
0x49: {  	_ =	shalt  }
0x4a: {  	_ =	shalt  }
0x4b: {  	_ =	shalt  }
0x4c: {  	_ =	shalt  }
0x4d: {  	_ =	shalt  }
0x4e: {  	_ =	shalt  }
0x4f: {  	_ =	shalt  }
0x50: {  	_ =	shalt  }
0x51: {  	_ =	shalt  }
0x52: {  	_ =	shalt  }
0x53: {  	_ =	shalt  }
0x54: {  	_ =	shalt  }
0x55: {  	_ =	shalt  }
0x56: {  	_ =	shalt  }
0x57: {  	_ =	shalt  }
0x58: {  	_ =	shalt  }
0x59: {  	_ =	shalt  }
0x5a: {  	_ =	shalt  }
0x5b: {  	_ =	shalt  }
0x5c: {  	_ =	shalt  }
0x5d: {  	_ =	shalt  }
0x5e: {  	_ =	shalt  }
0x5f: {  	_ =	shalt  }
0x60: {  	_ =	shalt  }
0x61: {  	_ =	shalt  }
0x62: {  	_ =	shalt  }
0x63: {  	_ =	shalt  }
0x64: {  	_ =	shalt  }
0x65: {  	_ =	shalt  }
0x66: {  	_ =	shalt  }
0x67: {  	_ =	shalt  }
0x68: {  	_ =	shalt  }
0x69: {  	_ =	shalt  }
0x6a: {  	_ =	shalt  }
0x6b: {  	_ =	shalt  }
0x6c: {  	_ =	shalt  }
0x6d: {  	_ =	shalt  }
0x6e: {  	_ =	shalt  }
0x6f: {  	_ =	shalt  }
0x70: {  	_ =	shalt  }
0x71: {  	_ =	shalt  }
0x72: {  	_ =	shalt  }
0x73: {  	_ =	shalt  }
0x74: {  	_ =	shalt  }
0x75: {  	_ =	shalt  }
0x76: {  	_ =	shalt  }
0x77: {  	_ =	shalt  }
0x78: {  	_ =	shalt  }
0x79: {  	_ =	shalt  }
0x7a: {  	_ =	shalt  }
0x7b: {  	_ =	shalt  }
0x7c: {  	_ =	shalt  }
0x7d: {  	_ =	shalt  }
0x7e: {  	_ =	shalt  }
0x7f: {  	_ =	shalt  }
0x80: {  	_ =	shalt  }
0x81: {  	_ =	shalt  }
0x82: {  	_ =	shalt  }
0x83: {  	_ =	shalt  }
0x84: {  	_ =	shalt  }
0x85: {  	_ =	shalt  }
0x86: {  	_ =	shalt  }
0x87: {  	_ =	shalt  }
.Lfunc_end0:
.L_simem_size_0:
called_computation_lowered:
.L_overlay_start_0:
0x88: {  	s2 =	sld [smem:$0x3FD9]  }
0x89: {  	s3 =	sld [smem:$0x3FFE];
	_ =	sdelay $0x1  }
0x8a: {  	s1 =	srdreg.scid  }
0x8b: {  	s0 =	sand.u32 $0x1, s1  }
0x8c: {  	s18 =	sshll.u32 s0, $0xA;
	s2 =	sadd.s32 s3, s2  }
0x8d: {  	s2 =	sadd.s32 s2, s18  }
0x8e: {  	[smem:$0x3FC7] =	sst s2  }
0x8f: {  	_ = 	snop  }
0x90: {  	s2 =	sld [smem:$0x3FC9]  }
0x91: {  	s19 =	sld [smem:$0x3FD0];
	(tm) =	ssettm $0x1  }
0x92: {  	s4 =	sld [smem:$0x3FFB];
	_ =	sdelay $0x3  }
0x93: {  	_ =	strace s4  }
0x94: {  	s4 =	sld [smem:$0x3FFC];
	_ =	sdelay $0x3  }
0x95: {  	_ =	strace s4  }
0x96: {  	s4 =	sld [smem:$0x3FFD];
	_ =	sdelay $0x3  }
0x97: {  	_ =	strace s4  }
0x98: {  	_ =	strace $0x8FFFFFFF  }
0x99: {  	s20 =	sld [smem:$0x3FDB];
	_ =	sdelay $0x1  }
0x9a: {  	s5 =	simm.s32 $_scs_section_size  }
0x9b: {  	s6 =	simm.s32 $_size__tile_overlayer_lowered;
	s7 =	simm.s32 $_tile_overlayer_lowered  }
0x9c: {  	s23 =	simm.s32 $0x1BFF;
	s22 =	sshll.u32 s7, $0x1;
	s4 =	sadd.s32 s5, s20  }
0x9d: {  	s8 =	simm.s32 $0x0;
	s21 =	sshll.u32 s6, $0x1;
	s6 =	sadd.s32 s22, s4  }
0x9e: {  	[timem:s8], [sflag:s23] =	dma.local [hbm:s6], s21  }
0x9f: {  	_ =	swait.ge [sflag:s23], s21  }
0xa0: {  	s5 =	ssub.s32 $0x0, s21;
	[sflag:s23] =	ssyncset.done $0x0  }
0xa1: {  	[sflag:s23] =	ssyncadd.s32 s5;
	_ =	sdelay $0x1  }
0xa2: {  	s24 =	simm.s32 $0x1B8B  }
0xa3: {  	_ =	swait.ge [sflag:s24], $0x1  }
0xa4: {  	[sflag:s24] =	ssyncset.done $0x0  }
0xa5: {  	s25 =	simm.s32 $0x1B8E;
	[sflag:s24] =	ssyncadd.s32 $0xFFFFFFFF  }
0xa6: {  	s26 =	simm.s32 $execute0_lowered;
	[smem:$0x3FD2] =	sst s25  }
0xa7: {  	s5 =	sshll.u32 s26, $0x1;
	_ =	strace $0x80000046;
	[dreg:$0x1] =	wrdreg $0xFFFFFFFF  }
0xa8: {  	s28 =	simm.s32 $_size_execute0_lowered;
	s4 =	sadd.s32 s4, s5;
	[dreg:$0x0] =	wrdreg $0x0  }
0xa9: {  	s5 =	sshll.u32 s28, $0x1;
	[dreg:$0x2] =	wrdreg s4  }
0xaa: {  	[dreg:$0x3] =	wrdreg s5  }
0xab: {  	[dreg:$0x4] =	wrdreg $0xC0  }
0xac: {  	_ =	task [dreg:s8], $0x5FFFF  }
0xad: {  	[dreg:$0x1] =	wrdreg $0xFFFFFFFF  }
0xae: {  	[dreg:$0x0] =	wrdreg $0x60  }
0xaf: {  	[dreg:$0x2] =	wrdreg s2  }
0xb0: {  	[dreg:$0x3] =	wrdreg s19  }
0xb1: {  	[dreg:$0x4] =	wrdreg $0x9  }
0xb2: {  	_ =	task.clear_ibuf [dreg:s8], $0x5FFFF;
	_ =	strace $0x90000046  }
0xb3: {  	s29 =	simm.s32 $0x9;
	_ =	strace $0x80000048  }
0xb4: {  	_ =	swait.ge [sflag:s29], $0x1  }
0xb5: {  	[sflag:s29] =	ssyncadd.s32 $0xFFFFFFFF  }
0xb6: {  	_ =	strace $0x90000048  }
0xb7: {  	_ =	sfence  }
0xb8: {  	s30 =	sld [smem:$0x0];
	_ =	sdelay $0x2  }
0xb9: {  	s31 =	sshll.u32 s1, $0xD;
	s1 =	sshrl.u32 s1, $0x2  }
0xba: {  	s3 =	sand.u32 $0x4000, s31;
	s1 =	sadd.s32 s1, s30  }
0xbb: {  	s0 =	sor.u32 s3, s0;
	s1 =	sshll.u32 s1, $0x11  }
0xbc: {  	s0 =	sor.u32 s1, s0  }
0xbd: {  	s0 =	sadd.s32 $0x8F2B, s0  }
0xbe: {  	[sflag:s0] =	ssyncadd.remote.s32 $0x1  }
0xbf: {  	_ =	sfence.sel $0xFFFF  }
0xc0: {  	[dreg:$0x0] =	wrdreg $0xFFFFFFFF;
	(pc) =	sbr.abs _section_cstart, $3  }
0xc1: {  	[dreg:$0x1] =	wrdreg $0xFFFFFFFF  }
0xc2: {  	_ =	task.clear_ibuf [dreg:s8], $0x2FFFF;
	_ =	strace $0x9FFFFFFF  }
0xc3: {  	(tm) =	ssettm $0x7FFFFFFF  }
tec
execute0_lowered:
.L_overlay_start_1:
0x0: {  	(tag) =	ssettag $0x1  }
0x1: {  	s0 =	rddreg [dreg:$0x0]  }
0x2: {  	s1 =	rddreg [dreg:$0x1]  }
0x3: {  	s2 =	srdreg.scid;
	s4 =	stileid.u32;
	s7 =	simm.s32 $0x0  }
0x4: {  	s2 =	sand.u32 $0x1, s2;
	s4 =	sshll.u32 s4, $0x1;
	[smem:$0x7FF] =	sst s7  }
0x5: {  	s3 =	ssub.s32 $0x2, s2;
	s2 =	sor.u32 s2, s4;
	_ =	strace $0x80000047  }
0x6: {  	s4 =	simm.s32 $0x0;
	p0 =	seq.s32 s2, $0x0;
	s6 =	sshll.u32 s2, $0xA  }
0x7: {  	s5 =	sshrl.u32 s3, $0x1;
	s4 =	simm.s32 @!p0 $0xFFFFFF80;
	s0 =	sadd.s32 s0, s6  }
0x8: {  	v0 =	vimm.s32 $0xEDCBA987;
	s3 =	ssub.s32 s3, s5;
	s5 =	simm.s32 $0x0;
	s0 =	sadd.s32 s4, s0  }
0x9: {  	v1 =	vimm.s32 $0x65432100;
	v0 =	vunpack.c.l.s4.s8 v0;
	s5 =	simm.s32 @!p0 $0x80;
	s30 =	smax.u32 s3, $0x1;
	[dreg:$0x13] =	wrdreg s0  }
0xa: {  	v1 =	vunpack.c.l.s4.s8 v1;
	s28 =	sshll.u32 s2, $0x7;
	s26 =	smax.u32 s5, $0x10;
	[dreg:$0x17] =	wrdreg s30  }
0xb: {  	v2 =	vunpack.c.0.s8.s32 v0;
	s0 =	sadd.s32 s1, s28;
	[dreg:$0x14] =	wrdreg s26  }
0xc: {  	v3 =	vunpack.c.0.s8.s32 v1;
	s31 =	sshll.u32 s5, $0x3;
	[dreg:$0x16] =	wrdreg s0  }
0xd: {  	vm0 =	vmmov $0x1;
	v2 =	vand.u32 $0xF, v2;
	s29 =	sadd.s32 $0xFFFFFFF0, s26;
	[dreg:$0x18] =	wrdreg s31  }
0xe: {  	v0 =	vimm.s32 $0x0;
	v1 =	vimm.s32 $0xF;
	s3 =	simm.s32 $0x1;
	v2 =	vcombine.low v3, v2;
	s1 =	simm.s32 $0x0;
	[dreg:$0x15] =	wrdreg s29  }
.LBB2_1:
0xf: {  	[dreg:$0x19] =	wrdreg s1  }
0x10: {  	s0 =	rddreg [dreg:$0x13];
	s18 =	simm.s32 $0x2400;
	s2 =	simm.s32 $0x40000  }
0x11: {  	[tilespmem:s7], [sflag:$0x1] =	stream.strided.gather [hbm4b:s0+s18], $0x9000, s2, s18, $0x38;
	[tilespmem:$0x9400] =	vst v63  }
0x12: {  	_ =	swait.ge [sflag:s3], $0x9000  }
0x13: {  	[sflag:s3] =	ssyncset.done $0x0  }
0x14: {  	s19 =	rddreg [dreg:$0x14];
	[sflag:s3] =	ssyncadd.s32 $0xFFFF7000  }
0x15: {  	s20 =	rddreg [dreg:$0x15];
	v3 =	vld [tilespmem:s19+$0xFFFFFFF0]  }
0x16: {  	v4 =	vld [tilespmem:s20+$0x80];
	_ =	sdelay $0x1  }
0x17: {  	v5 =	vld [tilespmem:s20+$0x100];
	_ =	sdelay $0x1  }
0x18: {  	v6 =	vld [tilespmem:s20+$0x180]  }
0x19: {  	vm1 =	vgt.f32 v4, v3  }
0x1a: {  	v7 =	vimm.s32 $0x0;
	v3 =	vsel vm1, v4, v3;
	v4 =	vld [tilespmem:s20+$0x200]  }
0x1b: {  	v7 =	vsel vm1, $0xFFFFFFFF, v7;
	vm1 =	vgt.f32 v5, v3  }
0x1c: {  	v3 =	vsel vm1, v5, v3;
	v5 =	vld [tilespmem:s20+$0x280]  }
0x1d: {  	vm3 =	vgt.f32 v6, v3  }
0x1e: {  	v3 =	vsel vm3, v6, v3;
	v6 =	vld [tilespmem:s20+$0x300]  }
0x1f: {  	vm4 =	vgt.f32 v4, v3  }
0x20: {  	v3 =	vsel vm4, v4, v3;
	v4 =	vld [tilespmem:s20+$0x380]  }
0x21: {  	vm5 =	vgt.f32 v5, v3  }
0x22: {  	v3 =	vsel vm5, v5, v3;
	v5 =	vld [tilespmem:s20+$0x2400]  }
0x23: {  	vm6 =	vgt.f32 v6, v3  }
0x24: {  	v3 =	vsel vm6, v6, v3;
	v6 =	vld [tilespmem:s20+$0x2480]  }
0x25: {  	vm7 =	vgt.f32 v4, v3  }
0x26: {  	v3 =	vsel vm7, v4, v3;
	v4 =	vld [tilespmem:s20+$0x2500]  }
0x27: {  	vm8 =	vgt.f32 v5, v3  }
0x28: {  	v3 =	vsel vm8, v5, v3;
	v5 =	vld [tilespmem:s20+$0x2580]  }
0x29: {  	vm9 =	vgt.f32 v6, v3  }
0x2a: {  	v3 =	vsel vm9, v6, v3;
	v6 =	vld [tilespmem:s20+$0x2600]  }
0x2b: {  	vm10 =	vgt.f32 v4, v3  }
0x2c: {  	v3 =	vsel vm10, v4, v3;
	v4 =	vld [tilespmem:s20+$0x2680]  }
0x2d: {  	vm11 =	vgt.f32 v5, v3  }
0x2e: {  	v3 =	vsel vm11, v5, v3;
	v5 =	vld [tilespmem:s20+$0x2700]  }
0x2f: {  	[tilespmem:$0x1FFE0] =	vst v7;
	v7 =	vimm.s32 $0x0;
	vm12 =	vgt.f32 v6, v3  }
0x30: {  	v7 =	vsel vm1, $0xFFFFFFFF, v7;
	v3 =	vsel vm12, v6, v3;
	v6 =	vld [tilespmem:s20+$0x2780]  }
0x31: {  	[tilespmem:$0x1FFF0] =	vst v7;
	v7 =	vld [tilespmem:$0x1FFE0];
	vm13 =	vgt.f32 v4, v3  }
0x32: {  	v3 =	vsel vm13, v4, v3;
	v4 =	vld [tilespmem:s20+$0x4800]  }
0x33: {  	v8 =	vld [tilespmem:$0x1FFF0];
	vm14 =	vgt.f32 v5, v3  }
0x34: {  	v3 =	vsel vm14, v5, v3;
	v5 =	vld [tilespmem:s20+$0x4880]  }
0x35: {  	vm15 =	vgt.f32 v6, v3  }
0x36: {  	v3 =	vsel vm15, v6, v3;
	v6 =	vld [tilespmem:s20+$0x4900]  }
0x37: {  	vm2 =	vnez.u8 v7;
	vm1 =	vgt.f32 v4, v3  }
0x38: {  	v7 =	vsel vm2, $0x1, v0;
	vm2 =	vnez.u8 v8;
	v3 =	vsel vm1, v4, v3;
	v4 =	vld [tilespmem:s20+$0x4980]  }
0x39: {  	v7 =	vsel vm2, $0x2, v7;
	vm2 =	vgt.f32 v5, v3  }
0x3a: {  	v7 =	vsel vm3, $0x3, v7;
	v3 =	vsel vm2, v5, v3;
	v5 =	vld [tilespmem:s20+$0x4A00]  }
0x3b: {  	v7 =	vsel vm4, $0x4, v7;
	vm3 =	vgt.f32 v6, v3  }
0x3c: {  	v7 =	vsel vm5, $0x5, v7;
	v3 =	vsel vm3, v6, v3;
	v6 =	vld [tilespmem:s20+$0x4A80]  }
0x3d: {  	v7 =	vsel vm6, $0x6, v7;
	vm4 =	vgt.f32 v4, v3  }
0x3e: {  	v7 =	vsel vm7, $0x7, v7;
	v3 =	vsel vm4, v4, v3;
	v4 =	vld [tilespmem:s20+$0x4B00]  }
0x3f: {  	v7 =	vsel vm8, $0x8, v7;
	vm5 =	vgt.f32 v5, v3  }
0x40: {  	v7 =	vsel vm9, $0x9, v7;
	v3 =	vsel vm5, v5, v3;
	v5 =	vld [tilespmem:s20+$0x4B80]  }
0x41: {  	v7 =	vsel vm10, $0xA, v7;
	vm6 =	vgt.f32 v6, v3  }
0x42: {  	v7 =	vsel vm11, $0xB, v7;
	v3 =	vsel vm6, v6, v3;
	v6 =	vld [tilespmem:s20+$0x6C00]  }
0x43: {  	v7 =	vsel vm12, $0xC, v7;
	vm12 =	vgt.f32 v4, v3  }
0x44: {  	v7 =	vsel vm13, $0xD, v7;
	v3 =	vsel vm12, v4, v3;
	v4 =	vld [tilespmem:s20+$0x6C80]  }
0x45: {  	v7 =	vsel vm14, $0xE, v7;
	vm14 =	vgt.f32 v5, v3  }
0x46: {  	v7 =	vsel vm15, $0xF, v7;
	v3 =	vsel vm14, v5, v3;
	v5 =	vld [tilespmem:s20+$0x6D00]  }
0x47: {  	v7 =	vsel vm1, $0x10, v7;
	vm1 =	vgt.f32 v6, v3  }
0x48: {  	v7 =	vsel vm2, $0x11, v7;
	v3 =	vsel vm1, v6, v3;
	v6 =	vld [tilespmem:s20+$0x6D80]  }
0x49: {  	s4 =	rddreg [dreg:$0x18];
	v7 =	vsel vm3, $0x12, v7;
	vm2 =	vgt.f32 v4, v3  }
0x4a: {  	s15 =	sand.u32 $0x60, s7;
	s16 =	sand.u32 $0x3C00, s4;
	v7 =	vsel vm4, $0x13, v7;
	v3 =	vsel vm2, v4, v3;
	v4 =	vld [tilespmem:s20+$0x6E00]  }
0x4b: {  	s14 =	sor.u32 $0x10, s15;
	v59 =	vld [tilespmem:s20+$0x6E80];
	s21 =	sor.u32 s15, s16;
	v7 =	vsel vm5, $0x14, v7;
	vm3 =	vgt.f32 v5, v3  }
0x4c: {  	s22 =	sor.u32 s14, s16;
	v10 =	vld [tilespmem:s21+$0x80];
	v7 =	vsel vm6, $0x15, v7;
	v3 =	vsel vm3, v5, v3  }
0x4d: {  	v11 =	vld [tilespmem:s22+$0x0];
	v7 =	vsel vm12, $0x16, v7;
	vm15 =	vgt.f32 v6, v3  }
0x4e: {  	v7 =	vsel vm14, $0x17, v7;
	v5 =	vld [tilespmem:s20+$0x6F00];
	v3 =	vsel vm15, v6, v3  }
0x4f: {  	v60 =	vld [tilespmem:s22+$0x80];
	v7 =	vsel vm1, $0x18, v7;
	vm1 =	vgt.f32 v4, v3  }
0x50: {  	v7 =	vsel vm2, $0x19, v7;
	v6 =	vld [tilespmem:s21+$0x0];
	v3 =	vsel vm1, v4, v3  }
0x51: {  	v9 =	vld [tilespmem:s20+$0x6F80];
	v7 =	vsel vm3, $0x1A, v7;
	vm2 =	vgt.f32 v59, v3  }
0x52: {  	v7 =	vsel vm15, $0x1B, v7;
	v4 =	vld [tilespmem:s21+$0x100];
	v3 =	vsel vm2, v59, v3  }
0x53: {  	v12 =	vld [tilespmem:s21+$0x180];
	v7 =	vsel vm1, $0x1C, v7;
	vm1 =	vgt.f32 v5, v3  }
0x54: {  	vm3 =	vgt.f32 v60, v11;
	v3 =	vsel vm1, v5, v3;
	v5 =	vld [tilespmem:s22+$0x100]  }
0x55: {  	s23 =	sand.u32 $0x3, s7;
	v61 =	vld [tilespmem:s22+$0x180];
	v8 =	vsel vm3, v60, v11;
	v7 =	vsel vm2, $0x1D, v7;
	vm2 =	vgt.f32 v10, v6  }
0x56: {  	s2 =	sshll.u32 s23, $0x5;
	v7 =	vsel vm1, $0x1E, v7;
	v6 =	vsel vm2, v10, v6;
	vm1 =	vgt.f32 v9, v3;
	v3 =	vld [tilespmem:s21+$0x200]  }
0x57: {  	s2 =	sadd.s32 s2, s4;
	v62 =	vld [tilespmem:s21+$0x280];
	v16 =	vsel vm3, $0x1, v0;
	v7 =	vsel vm1, $0x1F, v7;
	vm1 =	vgt.f32 v4, v6  }
0x58: {  	s24 =	sor.u32 $0x300, s2;
	v63 =	vld [tilespmem:s22+$0x200];
	v7 =	vpsel p0, $0xFFFFFFFF, v7;
	v4 =	vsel vm1, v4, v6;
	v6 =	vsel vm2, $0x1, v0  }
0x59: {  	s25 =	sor.u32 s4, s7;
	v13 =	vld [tilespmem:s24+$0x0];
	vm2 =	vgt.f32 v12, v4;
	v6 =	vsel vm1, $0x2, v6;
	vm1 =	vgt.f32 v5, v8  }
0x5a: {  	s2 =	sadd.s32 $0x10, s2;
	s0 =	sor.u32 $0x380, s25;
	v17 =	vld [tilespmem:s22+$0x280];
	v4 =	vsel vm2, v12, v4;
	v6 =	vsel vm2, $0x3, v6;
	v5 =	vsel vm1, v5, v8  }
0x5b: {  	s26 =	sadd.s32 $0x2400, s16;
	v14 =	vld [tilespmem:s0+$0x0];
	s28 =	sor.u32 $0x300, s2;
	vm3 =	vgt.f32 v3, v4;
	v12 =	vsel vm1, $0x2, v16;
	vm1 =	vgt.f32 v61, v5  }
0x5c: {  	s29 =	sor.u32 s15, s26;
	v3 =	vsel vm3, v3, v4;
	v4 =	vld [tilespmem:s28+$0x0];
	v6 =	vsel vm3, $0x4, v6;
	v5 =	vsel vm1, v61, v5  }
0x5d: {  	s30 =	sadd.s32 $0x2480, s16;
	s2 =	sor.u32 $0x380, s2;
	v19 =	vld [tilespmem:s29+$0x0];
	v18 =	vsel vm1, $0x3, v12;
	vm1 =	vgt.f32 v62, v3;
	vm2 =	vgt.f32 v63, v5  }
0x5e: {  	s31 =	sor.u32 s15, s30;
	v20 =	vld [tilespmem:s2+$0x0];
	v3 =	vsel vm1, v62, v3;
	v6 =	vsel vm1, $0x5, v6;
	v5 =	vsel vm2, v63, v5  }
0x5f: {  	s3 =	sadd.s32 $0x2500, s16;
	s1 =	sor.u32 s14, s26;
	v21 =	vld [tilespmem:s31+$0x0];
	vm3 =	vgt.f32 v13, v3;
	v9 =	vsel vm2, $0x4, v18;
	vm1 =	vgt.f32 v17, v5  }
0x60: {  	s5 =	sor.u32 s15, s3;
	v22 =	vld [tilespmem:s1+$0x0];
	v3 =	vsel vm3, v13, v3;
	v6 =	vsel vm3, $0x6, v6;
	v5 =	vsel vm1, v17, v5  }
0x61: {  	s0 =	sor.u32 s14, s30;
	v23 =	vld [tilespmem:s5+$0x0];
	vm3 =	vgt.f32 v14, v3;
	v9 =	vsel vm1, $0x5, v9;
	vm2 =	vgt.f32 v4, v5  }
0x62: {  	s6 =	sadd.s32 $0x2580, s16;
	v24 =	vld [tilespmem:s0+$0x0];
	s2 =	sor.u32 s14, s3;
	v3 =	vsel vm3, v14, v3;
	v6 =	vsel vm3, $0x7, v6;
	v4 =	vsel vm2, v4, v5  }
0x63: {  	s8 =	sadd.s32 $0x2600, s16;
	s7 =	sor.u32 s15, s6;
	v25 =	vld [tilespmem:s2+$0x0];
	vm1 =	vgt.f32 v19, v3;
	v9 =	vsel vm2, $0x6, v9;
	vm2 =	vgt.f32 v20, v4  }
0x64: {  	s9 =	sor.u32 s15, s8;
	v5 =	vld [tilespmem:s7+$0x0];
	v3 =	vsel vm1, v19, v3;
	v6 =	vsel vm1, $0x8, v6;
	v4 =	vsel vm2, v20, v4  }
0x65: {  	s10 =	sadd.s32 $0x2680, s16;
	s1 =	sor.u32 s14, s6;
	v26 =	vld [tilespmem:s9+$0x0];
	v9 =	vsel vm2, $0x7, v9;
	vm2 =	vgt.f32 v21, v3;
	vm3 =	vgt.f32 v22, v4  }
0x66: {  	s11 =	sor.u32 s15, s10;
	v27 =	vld [tilespmem:s1+$0x0];
	v3 =	vsel vm2, v21, v3;
	v6 =	vsel vm2, $0x9, v6;
	v4 =	vsel vm3, v22, v4  }
0x67: {  	s12 =	sadd.s32 $0x2700, s16;
	s0 =	sor.u32 s14, s8;
	v28 =	vld [tilespmem:s11+$0x0];
	vm1 =	vgt.f32 v23, v3;
	v9 =	vsel vm3, $0x8, v9;
	vm2 =	vgt.f32 v24, v4  }
0x68: {  	s13 =	sor.u32 s15, s12;
	v29 =	vld [tilespmem:s0+$0x0];
	v3 =	vsel vm1, v23, v3;
	v6 =	vsel vm1, $0xA, v6;
	v4 =	vsel vm2, v24, v4  }
0x69: {  	s17 =	sadd.s32 $0x2780, s16;
	v30 =	vld [tilespmem:s13+$0x0];
	s2 =	sor.u32 s14, s10;
	vm1 =	vgt.f32 v5, v3;
	v9 =	vsel vm2, $0x9, v9;
	vm3 =	vgt.f32 v25, v4  }
0x6a: {  	s18 =	sor.u32 s15, s17;
	v3 =	vsel vm1, v5, v3;
	v5 =	vld [tilespmem:s2+$0x0];
	v6 =	vsel vm1, $0xB, v6;
	v4 =	vsel vm3, v25, v4  }
0x6b: {  	v31 =	vld [tilespmem:s18+$0x0];
	s1 =	sor.u32 s14, s12;
	vm2 =	vgt.f32 v26, v3;
	v9 =	vsel vm3, $0xA, v9;
	vm3 =	vgt.f32 v27, v4  }
0x6c: {  	s19 =	sadd.s32 $0x4800, s16;
	s0 =	sor.u32 s14, s17;
	v15 =	vld [tilespmem:s1+$0x0];
	v10 =	vsel vm2, v26, v3;
	v3 =	vperm.xlane v7, v1;
	v4 =	vsel vm3, v27, v4  }
0x6d: {  	v33 =	vld [tilespmem:s0+$0x0];
	s20 =	sor.u32 s15, s19;
	s21 =	sadd.s32 $0x4880, s16;
	v7 =	vsel vm3, $0xB, v9;
	vm1 =	vgt.f32 v28, v10;
	vm3 =	vgt.f32 v29, v4  }
0x6e: {  	v32 =	vld [tilespmem:s20+$0x0];
	s22 =	sor.u32 s15, s21;
	v6 =	vsel vm2, $0xC, v6;
	v10 =	vsel vm1, v28, v10;
	v4 =	vsel vm3, v29, v4  }
0x6f: {  	v34 =	vld [tilespmem:s22+$0x0];
	s2 =	sor.u32 s14, s19;
	v6 =	vsel vm1, $0xD, v6;
	vm1 =	vgt.f32 v30, v10;
	vm2 =	vgt.f32 v5, v4  }
0x70: {  	s23 =	sadd.s32 $0x4900, s16;
	s1 =	sor.u32 s14, s21;
	v35 =	vld [tilespmem:s2+$0x0];
	v7 =	vsel vm3, $0xC, v7;
	v10 =	vsel vm1, v30, v10;
	v4 =	vsel vm2, v5, v4  }
0x71: {  	s24 =	sor.u32 s15, s23;
	v36 =	vld [tilespmem:s1+$0x0];
	v6 =	vsel vm1, $0xE, v6;
	vm1 =	vgt.f32 v31, v10;
	vm3 =	vgt.f32 v15, v4  }
0x72: {  	s25 =	sadd.s32 $0x4980, s16;
	s0 =	sor.u32 s14, s23;
	v5 =	vld [tilespmem:s24+$0x0];
	v7 =	vsel vm2, $0xD, v7;
	v10 =	vsel vm1, v31, v10;
	v4 =	vsel vm3, v15, v4  }
0x73: {  	s26 =	sadd.s32 $0x4A00, s16;
	v37 =	vld [tilespmem:s0+$0x0];
	s28 =	sor.u32 s15, s25;
	vm2 =	vgt.f32 v32, v10;
	v7 =	vsel vm3, $0xE, v7;
	vm3 =	vgt.f32 v33, v4  }
0x74: {  	s29 =	sor.u32 s15, s26;
	v38 =	vld [tilespmem:s28+$0x0];
	v6 =	vsel vm1, $0xF, v6;
	v9 =	vsel vm2, v32, v10;
	v4 =	vsel vm3, v33, v4  }
0x75: {  	v39 =	vld [tilespmem:s29+$0x0];
	s2 =	sor.u32 s14, s25;
	v7 =	vsel vm3, $0xF, v7;
	vm1 =	vgt.f32 v34, v9;
	vm3 =	vgt.f32 v35, v4  }
0x76: {  	s30 =	sor.u32 s14, s26;
	s31 =	sadd.s32 $0x4A80, s16;
	v40 =	vld [tilespmem:s2+$0x0];
	v6 =	vsel vm2, $0x10, v6;
	v8 =	vsel vm1, v34, v9;
	v4 =	vsel vm3, v35, v4  }
0x77: {  	s3 =	sadd.s32 $0x4B00, s16;
	v41 =	vld [tilespmem:s30+$0x0];
	s5 =	sor.u32 s15, s31;
	v6 =	vsel vm1, $0x11, v6;
	vm1 =	vgt.f32 v5, v8;
	vm2 =	vgt.f32 v36, v4  }
0x78: {  	s6 =	sor.u32 s15, s3;
	v42 =	vld [tilespmem:s5+$0x0];
	v7 =	vsel vm3, $0x10, v7;
	v5 =	vsel vm1, v5, v8;
	v4 =	vsel vm2, v36, v4  }
0x79: {  	v43 =	vld [tilespmem:s6+$0x0];
	s1 =	sor.u32 s14, s31;
	s7 =	sadd.s32 $0x4B80, s16;
	v6 =	vsel vm1, $0x12, v6;
	vm1 =	vgt.f32 v38, v5;
	vm3 =	vgt.f32 v37, v4  }
0x7a: {  	v44 =	vld [tilespmem:s1+$0x0];
	s8 =	sor.u32 s15, s7;
	v7 =	vsel vm2, $0x11, v7;
	v5 =	vsel vm1, v38, v5;
	v4 =	vsel vm3, v37, v4  }
0x7b: {  	s9 =	sadd.s32 $0x6C00, s16;
	v45 =	vld [tilespmem:s8+$0x0];
	s2 =	sor.u32 s14, s3;
	vm2 =	vgt.f32 v39, v5;
	v7 =	vsel vm3, $0x12, v7;
	vm3 =	vgt.f32 v40, v4  }
0x7c: {  	s10 =	sor.u32 s15, s9;
	v46 =	vld [tilespmem:s2+$0x0];
	v6 =	vsel vm1, $0x13, v6;
	v5 =	vsel vm2, v39, v5;
	v4 =	vsel vm3, v40, v4  }
0x7d: {  	v48 =	vld [tilespmem:s10+$0x0];
	s0 =	sor.u32 s14, s7;
	v7 =	vsel vm3, $0x13, v7;
	vm1 =	vgt.f32 v42, v5;
	vm3 =	vgt.f32 v41, v4  }
0x7e: {  	s11 =	sor.u32 s14, s9;
	s12 =	sadd.s32 $0x6C80, s16;
	v47 =	vld [tilespmem:s0+$0x0];
	v6 =	vsel vm2, $0x14, v6;
	v5 =	vsel vm1, v42, v5;
	v4 =	vsel vm3, v41, v4  }
0x7f: {  	s13 =	sadd.s32 $0x6D00, s16;
	v49 =	vld [tilespmem:s11+$0x0];
	s17 =	sor.u32 s15, s12;
	v6 =	vsel vm1, $0x15, v6;
	vm1 =	vgt.f32 v43, v5;
	vm2 =	vgt.f32 v44, v4  }
0x80: {  	s18 =	sor.u32 s15, s13;
	v50 =	vld [tilespmem:s17+$0x0];
	v7 =	vsel vm3, $0x14, v7;
	v5 =	vsel vm1, v43, v5;
	v4 =	vsel vm2, v44, v4  }
0x81: {  	v51 =	vld [tilespmem:s18+$0x0];
	s1 =	sor.u32 s14, s12;
	s19 =	sadd.s32 $0x6D80, s16;
	v6 =	vsel vm1, $0x16, v6;
	vm1 =	vgt.f32 v45, v5;
	vm3 =	vgt.f32 v46, v4  }
0x82: {  	v52 =	vld [tilespmem:s1+$0x0];
	s20 =	sor.u32 s15, s19;
	v7 =	vsel vm2, $0x15, v7;
	v5 =	vsel vm1, v45, v5;
	v4 =	vsel vm3, v46, v4  }
0x83: {  	s21 =	sadd.s32 $0x6E00, s16;
	v53 =	vld [tilespmem:s20+$0x0];
	s2 =	sor.u32 s14, s13;
	vm2 =	vgt.f32 v48, v5;
	v7 =	vsel vm3, $0x16, v7;
	vm3 =	vgt.f32 v47, v4  }
0x84: {  	s22 =	sor.u32 s15, s21;
	v54 =	vld [tilespmem:s2+$0x0];
	v6 =	vsel vm1, $0x17, v6;
	v5 =	vsel vm2, v48, v5;
	v4 =	vsel vm3, v47, v4  }
0x85: {  	v55 =	vld [tilespmem:s22+$0x0];
	s0 =	sor.u32 s14, s19;
	v7 =	vsel vm3, $0x17, v7;
	vm1 =	vgt.f32 v50, v5;
	vm3 =	vgt.f32 v49, v4  }
0x86: {  	s23 =	sadd.s32 $0x6E80, s16;
	s1 =	sor.u32 s14, s21;
	v56 =	vld [tilespmem:s0+$0x0];
	v6 =	vsel vm2, $0x18, v6;
	v5 =	vsel vm1, v50, v5;
	v4 =	vsel vm3, v49, v4  }
0x87: {  	v58 =	vld [tilespmem:s1+$0x0];
	s24 =	sor.u32 s15, s23;
	v7 =	vsel vm3, $0x18, v7;
	vm2 =	vgt.f32 v51, v5;
	vm3 =	vgt.f32 v52, v4  }
0x88: {  	s28 =	sor.u32 s14, s23;
	s25 =	sadd.s32 $0x6F00, s16;
	v57 =	vld [tilespmem:s24+$0x0];
	v6 =	vsel vm1, $0x19, v6;
	v5 =	vsel vm2, v51, v5;
	v4 =	vsel vm3, v52, v4  }
0x89: {  	s29 =	sadd.s32 $0x6F80, s16;
	v60 =	vld [tilespmem:s28+$0x0];
	s26 =	sor.u32 s15, s25;
	v7 =	vsel vm3, $0x19, v7;
	vm1 =	vgt.f32 v53, v5;
	vm3 =	vgt.f32 v54, v4  }
0x8a: {  	s30 =	sor.u32 s15, s29;
	v59 =	vld [tilespmem:s26+$0x0];
	v6 =	vsel vm2, $0x1A, v6;
	v5 =	vsel vm1, v53, v5;
	v4 =	vsel vm3, v54, v4  }
0x8b: {  	v61 =	vld [tilespmem:s30+$0x0];
	s0 =	sor.u32 s14, s25;
	v6 =	vsel vm1, $0x1B, v6;
	vm1 =	vgt.f32 v55, v5;
	vm2 =	vgt.f32 v56, v4  }
0x8c: {  	v62 =	vld [tilespmem:s0+$0x0];
	v7 =	vsel vm3, $0x1A, v7;
	v5 =	vsel vm1, v55, v5;
	v4 =	vsel vm2, v56, v4  }
0x8d: {  	s31 =	sor.u32 s14, s29;
	vm3 =	vgt.f32 v57, v5;
	v7 =	vsel vm2, $0x1B, v7;
	vm2 =	vgt.f32 v58, v4  }
0x8e: {  	v63 =	vld [tilespmem:s31+$0x0];
	v6 =	vsel vm1, $0x1C, v6;
	v5 =	vsel vm3, v57, v5;
	v4 =	vsel vm2, v58, v4  }
0x8f: {  	v7 =	vsel vm2, $0x1C, v7;
	vm1 =	vgt.f32 v59, v5;
	vm2 =	vgt.f32 v60, v4  }
0x90: {  	v6 =	vsel vm3, $0x1D, v6;
	v5 =	vsel vm1, v59, v5;
	v4 =	vsel vm2, v60, v4  }
0x91: {  	v6 =	vsel vm1, $0x1E, v6;
	vm1 =	vgt.f32 v61, v5;
	vm3 =	vgt.f32 v62, v4  }
0x92: {  	v5 =	vsel vm1, $0x1F, v6;
	v6 =	vsel vm2, $0x1D, v7;
	v4 =	vsel vm3, v62, v4  }
0x93: {  	v6 =	vsel vm3, $0x1E, v6;
	v7 =	vperm.xlane v5, v2;
	vm1 =	vgt.f32 v63, v4  }
0x94: {  	v4 =	vsel vm1, $0x1F, v6  }
0x95: {  	v3 =	vsel vm0, v3, v7;
	v6 =	vperm.xlane v5, v1;
	v7 =	vperm.xlane v4, v2  }
0x96: {  	s18 =	simm.s32 $0x9010;
	s17 =	simm.s32 $0x0;
	vm3 =	vne.s32 v5, $0x0;
	vm1 =	vne.s32 v5, v3  }
0x97: {  	s16 =	smov.u32 s4;
	s14 =	simm.s32 $0x9010;
	s15 =	simm.s32 $0x20;
	vm2 =	vne.s32 v4, $0x0;
	vm1 =	vmand vm3, vm1;
	v3 =	vsel vm0, v6, v7  }
.LBB2_2:
0x98: {  	vm3 =	vne.s32 v4, v3;
	s16 =	sadd.s32 $0x100, s16;
	s2 =	smov.u32 s15  }
0x99: {  	s17 =	sadd.s32 $0x1, s17;
	v3 =	vnsel vm1, $0xFFFFFFFF, v5;
	vm2 =	vmand vm3, vm2;
	s19 =	sand.u32 $0x60, s2;
	s21 =	sand.u32 $0x3C00, s16  }
0x9a: {  	[tilespmem:s18+$0xFFFFFFF0] =	vst v3;
	s30 =	sand.u32 $0x3, s17;
	s2 =	sor.u32 s16, s2;
	v5 =	vnsel vm2, $0xFFFFFFFF, v4;
	s5 =	sor.u32 s19, s21  }
0x9b: {  	s0 =	sadd.s32 $0x2400, s21;
	s20 =	sor.u32 $0x10, s19;
	s1 =	sadd.s32 $0x2480, s21;
	[tilespmem:s18+$0x0] =	vst v5  }
0x9c: {  	s9 =	sadd.s32 $0x2500, s21;
	s3 =	sadd.s32 $0x2580, s21;
	s8 =	sadd.s32 $0x2600, s21;
	v5 =	vld [tilespmem:s5+$0x100]  }
0x9d: {  	s11 =	sadd.s32 $0x2680, s21;
	s2 =	sor.u32 $0x380, s2;
	s7 =	sor.u32 s19, s0;
	v3 =	vld [tilespmem:s5+$0x0]  }
0x9e: {  	s6 =	sor.u32 s20, s21;
	s13 =	sor.u32 s19, s1;
	s24 =	sor.u32 s20, s0;
	v6 =	vld [tilespmem:s5+$0x80]  }
0x9f: {  	s26 =	sor.u32 s20, s1;
	s23 =	sor.u32 s19, s9;
	s12 =	sor.u32 s19, s3;
	v7 =	vld [tilespmem:s6+$0x0]  }
0xa0: {  	s4 =	sor.u32 s20, s9;
	s28 =	sor.u32 s19, s8;
	s22 =	sor.u32 s20, s3;
	v8 =	vld [tilespmem:s6+$0x80]  }
0xa1: {  	s10 =	sor.u32 s20, s8;
	s9 =	sadd.s32 $0x2700, s21;
	s18 =	sor.u32 s19, s11;
	v9 =	vld [tilespmem:s5+$0x180]  }
0xa2: {  	s25 =	sor.u32 s20, s11;
	s8 =	sshll.u32 s30, $0x5;
	s3 =	sadd.s32 $0x4800, s21;
	v10 =	vld [tilespmem:s6+$0x100]  }
0xa3: {  	s0 =	sadd.s32 $0x4880, s21;
	[dreg:$0x12] =	wrdreg s10;
	s10 =	sadd.s32 $0x2780, s21;
	v11 =	vld [tilespmem:s5+$0x200]  }
0xa4: {  	s29 =	sor.u32 s19, s9;
	[dreg:$0xe] =	wrdreg s25;
	s1 =	sor.u32 s20, s9;
	v12 =	vld [tilespmem:s6+$0x180]  }
0xa5: {  	s8 =	sadd.s32 s8, s16;
	v13 =	vld [tilespmem:s5+$0x280];
	s25 =	sor.u32 s19, s3;
	s30 =	sor.u32 s20, s3  }
0xa6: {  	s5 =	sor.u32 s19, s0;
	v14 =	vld [tilespmem:s2+$0x0];
	s2 =	sadd.s32 $0x4980, s21;
	[dreg:$0x9] =	wrdreg s1;
	vm1 =	vgt.f32 v6, v3  }
0xa7: {  	v62 =	vld [tilespmem:s6+$0x280];
	s31 =	sor.u32 s19, s10;
	s11 =	sor.u32 s20, s10;
	[dreg:$0x11] =	wrdreg s25;
	v6 =	vsel vm1, v6, v3  }
0xa8: {  	v16 =	vld [tilespmem:s7+$0x0];
	[dreg:$0x3] =	wrdreg s30;
	s30 =	sor.u32 s20, s0;
	s1 =	sadd.s32 $0x4900, s21;
	vm3 =	vgt.f32 v8, v7;
	v3 =	vperm.xlane v4, v1;
	vm2 =	vgt.f32 v5, v6  }
0xa9: {  	s25 =	sadd.s32 $0x4A00, s21;
	s10 =	sor.u32 s19, s2;
	[dreg:$0xf] =	wrdreg s31;
	v4 =	vsel vm1, $0x1, v0;
	v5 =	vsel vm2, v5, v6;
	v6 =	vsel vm3, v8, v7;
	v7 =	vld [tilespmem:s6+$0x200]  }
0xaa: {  	v17 =	vld [tilespmem:s24+$0x0];
	s0 =	sadd.s32 $0x4A80, s21;
	[dreg:$0x5] =	wrdreg s11;
	s31 =	sor.u32 $0x300, s8;
	v4 =	vsel vm2, $0x2, v4;
	vm1 =	vgt.f32 v9, v5;
	vm2 =	vgt.f32 v10, v6  }
0xab: {  	s8 =	sadd.s32 $0x10, s8;
	s3 =	sor.u32 s19, s1;
	s7 =	sor.u32 s19, s0;
	v60 =	vld [tilespmem:s31+$0x0];
	v61 =	vsel vm3, $0x1, v0;
	v5 =	vsel vm1, v9, v5;
	v6 =	vsel vm2, v10, v6  }
0xac: {  	v19 =	vld [tilespmem:s23+$0x0];
	s24 =	sor.u32 s20, s0;
	s0 =	sadd.s32 $0x6C00, s21;
	s11 =	sor.u32 $0x300, s8;
	v9 =	vsel vm2, $0x2, v61;
	vm3 =	vgt.f32 v11, v5;
	vm2 =	vgt.f32 v12, v6  }
0xad: {  	s31 =	sor.u32 $0x380, s8;
	s8 =	sor.u32 s19, s25;
	s23 =	sor.u32 s19, s0;
	v63 =	vld [tilespmem:s11+$0x0];
	v4 =	vsel vm1, $0x3, v4;
	v5 =	vsel vm3, v11, v5;
	v6 =	vsel vm2, v12, v6  }
0xae: {  	v18 =	vld [tilespmem:s13+$0x0];
	s0 =	sor.u32 s20, s0;
	s11 =	sor.u32 s20, s2;
	[dreg:$0xb] =	wrdreg s23;
	v9 =	vsel vm2, $0x3, v9;
	vm1 =	vgt.f32 v13, v5;
	vm2 =	vgt.f32 v7, v6  }
0xaf: {  	s2 =	sadd.s32 $0x4B80, s21;
	[dreg:$0x8] =	wrdreg s0;
	s0 =	sadd.s32 $0x6C80, s21;
	v4 =	vsel vm3, $0x4, v4;
	v5 =	vsel vm1, v13, v5;
	v6 =	vsel vm2, v7, v6;
	v7 =	vld [tilespmem:s31+$0x0]  }
0xb0: {  	v20 =	vld [tilespmem:s26+$0x0];
	s13 =	sor.u32 s19, s2;
	s23 =	sor.u32 s20, s2;
	s26 =	sor.u32 s19, s0;
	v4 =	vsel vm1, $0x5, v4;
	vm1 =	vgt.f32 v60, v5;
	vm3 =	vgt.f32 v62, v6  }
0xb1: {  	s2 =	sadd.s32 $0x6D80, s21;
	s0 =	sor.u32 s20, s0;
	[dreg:$0x10] =	wrdreg s26;
	v9 =	vsel vm2, $0x4, v9;
	v5 =	vsel vm1, v60, v5;
	v6 =	vsel vm3, v62, v6  }
0xb2: {  	v21 =	vld [tilespmem:s4+$0x0];
	s25 =	sor.u32 s20, s25;
	[dreg:$0xa] =	wrdreg s0;
	s4 =	sor.u32 s19, s2;
	v4 =	vsel vm1, $0x6, v4;
	vm1 =	vgt.f32 v14, v5;
	vm2 =	vgt.f32 v63, v6  }
0xb3: {  	[dreg:$0xc] =	wrdreg s4;
	s6 =	sor.u32 s20, s1;
	s1 =	sadd.s32 $0x4B00, s21;
	v9 =	vsel vm3, $0x5, v9;
	v5 =	vsel vm1, v14, v5;
	v6 =	vsel vm2, v63, v6  }
0xb4: {  	s9 =	sor.u32 s19, s1;
	s31 =	sor.u32 s20, s1;
	s1 =	sadd.s32 $0x6D00, s21;
	v9 =	vsel vm2, $0x6, v9;
	vm3 =	vgt.f32 v16, v5;
	vm2 =	vgt.f32 v7, v6  }
0xb5: {  	v22 =	vld [tilespmem:s12+$0x0];
	s26 =	sor.u32 s19, s1;
	s12 =	sor.u32 s20, s1;
	s1 =	sadd.s32 $0x6E80, s21;
	v4 =	vsel vm1, $0x7, v4;
	v5 =	vsel vm3, v16, v5;
	v6 =	vsel vm2, v7, v6  }
0xb6: {  	v23 =	vld [tilespmem:s28+$0x0];
	s0 =	sadd.s32 $0x6E00, s21;
	[dreg:$0xd] =	wrdreg s26;
	s26 =	sor.u32 s19, s1;
	v7 =	vsel vm2, $0x7, v9;
	vm1 =	vgt.f32 v18, v5;
	vm2 =	vgt.f32 v17, v6  }
0xb7: {  	v24 =	vld [tilespmem:s22+$0x0];
	s4 =	sor.u32 s20, s2;
	s2 =	sadd.s32 $0x6F00, s21;
	[dreg:$0x6] =	wrdreg s26;
	v4 =	vsel vm3, $0x8, v4;
	v5 =	vsel vm1, v18, v5;
	v6 =	vsel vm2, v17, v6  }
0xb8: {  	v25 =	vld [tilespmem:s18+$0x0];
	s28 =	sor.u32 s19, s0;
	s22 =	sor.u32 s20, s0;
	s26 =	rddreg [dreg:$0x12];
	v4 =	vsel vm1, $0x9, v4;
	vm1 =	vgt.f32 v19, v5;
	vm3 =	vgt.f32 v20, v6  }
0xb9: {  	s0 =	sadd.s32 $0x6F80, s21;
	s18 =	sor.u32 s19, s2;
	[dreg:$0x7] =	wrdreg s12;
	v26 =	vld [tilespmem:s26+$0x0];
	v7 =	vsel vm2, $0x8, v7;
	v5 =	vsel vm1, v19, v5;
	v6 =	vsel vm3, v20, v6  }
0xba: {  	v27 =	vld [tilespmem:s29+$0x0];
	s12 =	sor.u32 s20, s1;
	s1 =	sor.u32 s20, s2;
	s2 =	rddreg [dreg:$0xe];
	v4 =	vsel vm1, $0xA, v4;
	vm1 =	vgt.f32 v22, v5;
	vm2 =	vgt.f32 v21, v6  }
0xbb: {  	s21 =	sor.u32 s19, s0;
	s19 =	sor.u32 s20, s0;
	s20 =	rddreg [dreg:$0xf];
	v28 =	vld [tilespmem:s2+$0x0];
	v7 =	vsel vm3, $0x9, v7;
	v5 =	vsel vm1, v22, v5;
	v6 =	vsel vm2, v21, v6  }
0xbc: {  	v29 =	vld [tilespmem:s20+$0x0];
	s26 =	rddreg [dreg:$0x9];
	v7 =	vsel vm2, $0xA, v7;
	vm3 =	vgt.f32 v23, v5;
	vm2 =	vgt.f32 v24, v6  }
0xbd: {  	s29 =	rddreg [dreg:$0x11];
	v30 =	vld [tilespmem:s26+$0x0];
	v4 =	vsel vm1, $0xB, v4;
	v5 =	vsel vm3, v23, v5;
	v6 =	vsel vm2, v24, v6  }
0xbe: {  	v31 =	vld [tilespmem:s29+$0x0];
	s2 =	rddreg [dreg:$0x5];
	v7 =	vsel vm2, $0xB, v7;
	vm1 =	vgt.f32 v25, v5;
	vm2 =	vgt.f32 v26, v6  }
0xbf: {  	v32 =	vld [tilespmem:s2+$0x0];
	v4 =	vsel vm3, $0xC, v4;
	v5 =	vsel vm1, v25, v5;
	v6 =	vsel vm2, v26, v6  }
0xc0: {  	v33 =	vld [tilespmem:s5+$0x0];
	s5 =	rddreg [dreg:$0x3];
	v4 =	vsel vm1, $0xD, v4;
	vm1 =	vgt.f32 v27, v5;
	vm3 =	vgt.f32 v28, v6  }
0xc1: {  	v34 =	vld [tilespmem:s5+$0x0];
	v7 =	vsel vm2, $0xC, v7;
	v5 =	vsel vm1, v27, v5;
	v6 =	vsel vm3, v28, v6  }
0xc2: {  	v36 =	vld [tilespmem:s30+$0x0];
	v4 =	vsel vm1, $0xE, v4;
	vm1 =	vgt.f32 v29, v5;
	vm2 =	vgt.f32 v30, v6  }
0xc3: {  	v35 =	vld [tilespmem:s3+$0x0];
	v7 =	vsel vm3, $0xD, v7;
	v5 =	vsel vm1, v29, v5;
	v6 =	vsel vm2, v30, v6  }
0xc4: {  	v38 =	vld [tilespmem:s10+$0x0];
	v7 =	vsel vm2, $0xE, v7;
	vm3 =	vgt.f32 v31, v5;
	vm2 =	vgt.f32 v32, v6  }
0xc5: {  	v37 =	vld [tilespmem:s6+$0x0];
	v4 =	vsel vm1, $0xF, v4;
	v5 =	vsel vm3, v31, v5;
	v6 =	vsel vm2, v32, v6  }
0xc6: {  	v39 =	vld [tilespmem:s8+$0x0];
	v7 =	vsel vm2, $0xF, v7;
	vm1 =	vgt.f32 v33, v5;
	vm2 =	vgt.f32 v34, v6  }
0xc7: {  	v40 =	vld [tilespmem:s11+$0x0];
	v4 =	vsel vm3, $0x10, v4;
	v5 =	vsel vm1, v33, v5;
	v6 =	vsel vm2, v34, v6  }
0xc8: {  	v42 =	vld [tilespmem:s7+$0x0];
	v4 =	vsel vm1, $0x11, v4;
	vm1 =	vgt.f32 v35, v5;
	vm3 =	vgt.f32 v36, v6  }
0xc9: {  	v41 =	vld [tilespmem:s25+$0x0];
	v7 =	vsel vm2, $0x10, v7;
	v5 =	vsel vm1, v35, v5;
	v6 =	vsel vm3, v36, v6  }
0xca: {  	v44 =	vld [tilespmem:s24+$0x0];
	v4 =	vsel vm1, $0x12, v4;
	vm1 =	vgt.f32 v38, v5;
	vm2 =	vgt.f32 v37, v6  }
0xcb: {  	v43 =	vld [tilespmem:s9+$0x0];
	v7 =	vsel vm3, $0x11, v7;
	v5 =	vsel vm1, v38, v5;
	v6 =	vsel vm2, v37, v6  }
0xcc: {  	v45 =	vld [tilespmem:s13+$0x0];
	v7 =	vsel vm2, $0x12, v7;
	vm3 =	vgt.f32 v39, v5;
	vm2 =	vgt.f32 v40, v6  }
0xcd: {  	v46 =	vld [tilespmem:s31+$0x0];
	v4 =	vsel vm1, $0x13, v4;
	v5 =	vsel vm3, v39, v5;
	v6 =	vsel vm2, v40, v6  }
0xce: {  	v47 =	vld [tilespmem:s23+$0x0];
	s13 =	rddreg [dreg:$0xb];
	v7 =	vsel vm2, $0x13, v7;
	vm1 =	vgt.f32 v42, v5;
	vm2 =	vgt.f32 v41, v6  }
0xcf: {  	v48 =	vld [tilespmem:s13+$0x0];
	s23 =	rddreg [dreg:$0x10];
	v4 =	vsel vm3, $0x14, v4;
	v5 =	vsel vm1, v42, v5;
	v6 =	vsel vm2, v41, v6  }
0xd0: {  	v50 =	vld [tilespmem:s23+$0x0];
	s20 =	rddreg [dreg:$0x8];
	v4 =	vsel vm1, $0x15, v4;
	vm1 =	vgt.f32 v43, v5;
	vm3 =	vgt.f32 v44, v6  }
0xd1: {  	s25 =	rddreg [dreg:$0xa];
	v49 =	vld [tilespmem:s20+$0x0];
	v7 =	vsel vm2, $0x14, v7;
	v5 =	vsel vm1, v43, v5;
	v6 =	vsel vm3, v44, v6  }
0xd2: {  	v52 =	vld [tilespmem:s25+$0x0];
	s24 =	rddreg [dreg:$0xd];
	v4 =	vsel vm1, $0x16, v4;
	vm1 =	vgt.f32 v45, v5;
	vm2 =	vgt.f32 v46, v6  }
0xd3: {  	s29 =	rddreg [dreg:$0x7];
	v51 =	vld [tilespmem:s24+$0x0];
	v7 =	vsel vm3, $0x15, v7;
	v5 =	vsel vm1, v45, v5;
	v6 =	vsel vm2, v46, v6  }
0xd4: {  	v54 =	vld [tilespmem:s29+$0x0];
	s26 =	rddreg [dreg:$0xc];
	v7 =	vsel vm2, $0x16, v7;
	vm3 =	vgt.f32 v48, v5;
	vm2 =	vgt.f32 v47, v6  }
0xd5: {  	v53 =	vld [tilespmem:s26+$0x0];
	v4 =	vsel vm1, $0x17, v4;
	v5 =	vsel vm3, v48, v5;
	v6 =	vsel vm2, v47, v6  }
0xd6: {  	v55 =	vld [tilespmem:s28+$0x0];
	v7 =	vsel vm2, $0x17, v7;
	vm1 =	vgt.f32 v50, v5;
	vm2 =	vgt.f32 v49, v6  }
0xd7: {  	v56 =	vld [tilespmem:s4+$0x0];
	[dreg:$0x4] =	wrdreg s18;
	v4 =	vsel vm3, $0x18, v4;
	v5 =	vsel vm1, v50, v5;
	v6 =	vsel vm2, v49, v6  }
0xd8: {  	v58 =	vld [tilespmem:s22+$0x0];
	s30 =	rddreg [dreg:$0x6];
	v7 =	vsel vm2, $0x18, v7;
	vm2 =	vgt.f32 v51, v5;
	vm3 =	vgt.f32 v52, v6  }
0xd9: {  	s31 =	rddreg [dreg:$0x4];
	v57 =	vld [tilespmem:s30+$0x0];
	v4 =	vsel vm1, $0x19, v4;
	v5 =	vsel vm2, v51, v5;
	v6 =	vsel vm3, v52, v6  }
0xda: {  	v59 =	vld [tilespmem:s31+$0x0];
	v7 =	vsel vm3, $0x19, v7;
	vm1 =	vgt.f32 v53, v5;
	vm3 =	vgt.f32 v54, v6  }
0xdb: {  	v60 =	vld [tilespmem:s12+$0x0];
	v4 =	vsel vm2, $0x1A, v4;
	v5 =	vsel vm1, v53, v5;
	v6 =	vsel vm3, v54, v6  }
0xdc: {  	v61 =	vld [tilespmem:s21+$0x0];
	v4 =	vsel vm1, $0x1B, v4;
	vm1 =	vgt.f32 v55, v5;
	vm2 =	vgt.f32 v56, v6  }
0xdd: {  	v62 =	vld [tilespmem:s1+$0x0];
	v7 =	vsel vm3, $0x1A, v7;
	v5 =	vsel vm1, v55, v5;
	v6 =	vsel vm2, v56, v6  }
0xde: {  	v7 =	vsel vm2, $0x1B, v7;
	vm3 =	vgt.f32 v57, v5;
	vm2 =	vgt.f32 v58, v6  }
0xdf: {  	v63 =	vld [tilespmem:s19+$0x0];
	v4 =	vsel vm1, $0x1C, v4;
	v5 =	vsel vm3, v57, v5;
	v6 =	vsel vm2, v58, v6  }
0xe0: {  	v7 =	vsel vm2, $0x1C, v7;
	vm1 =	vgt.f32 v59, v5;
	vm2 =	vgt.f32 v60, v6  }
0xe1: {  	v4 =	vsel vm3, $0x1D, v4;
	v5 =	vsel vm1, v59, v5;
	v6 =	vsel vm2, v60, v6  }
0xe2: {  	v4 =	vsel vm1, $0x1E, v4;
	vm1 =	vgt.f32 v61, v5;
	vm3 =	vgt.f32 v62, v6  }
0xe3: {  	p1 =	sne.s32 s15, $0x3E0;
	v5 =	vsel vm1, $0x1F, v4;
	v4 =	vsel vm2, $0x1D, v7;
	v6 =	vsel vm3, v62, v6  }
.Ltmp0:
0xe4: {  	v4 =	vsel vm3, $0x1E, v4;
	vm1 =	vgt.f32 v63, v6;
	v6 =	vperm.xlane v5, v2;
	(pc) =	sbr.rel @p1 .LBB2_2-.Ltmp0, $4  }
0xe5: {  	v4 =	vsel vm1, $0x1F, v4  }
0xe6: {  	v3 =	vsel vm0, v3, v6;
	v6 =	vperm.xlane v5, v1;
	v7 =	vperm.xlane v4, v2  }
0xe7: {  	s14 =	sadd.s32 $0x20, s14;
	vm3 =	vne.s32 v5, $0x0;
	vm1 =	vne.s32 v5, v3  }
0xe8: {  	s15 =	sadd.s32 $0x20, s15;
	s18 =	smov.u32 s14;
	vm2 =	vne.s32 v4, $0x0;
	vm1 =	vmand vm3, vm1;
	v3 =	vsel vm0, v6, v7  }
0xe9: {  	vm3 =	vne.s32 v4, v3  }
0xea: {  	v63 =	vnsel vm1, $0xFFFFFFFF, v5;
	vm2 =	vmand vm3, vm2  }
0xeb: {  	s7 =	simm.s32 $0x0;
	[tilespmem:s18+$0xFFFFFFF0] =	vst v63;
	v3 =	vnsel vm2, $0xFFFFFFFF, v4  }
0xec: {  	s0 =	rddreg [dreg:$0x16];
	s1 =	simm.s32 $0x9000;
	s3 =	simm.s32 $0x1;
	[tilespmem:s18+$0x0] =	vst v3  }
0xed: {  	[hbm4b:s0+s7] =	stream.linear.scatter [tilespmem:s1], [sflag:$0x1], $0x400, $0x38;
	[tilespmem:$0x9400] =	vst v63  }
0xee: {  	_ =	swait.ge [sflag:s3], $0x400  }
0xef: {  	s30 =	rddreg [dreg:$0x19]  }
0xf0: {  	s31 =	rddreg [dreg:$0x17];
	s1 =	sadd.s32 $0x1, s30  }
0xf1: {  	p1 =	sne.s32 s1, s31  }
.Ltmp1:
0xf2: {  	_ = 	snop;
	(pc) =	sbr.rel @p1 .LBB2_1-.Ltmp1, $3  }
0xf3: {  	_ =	sdelay $0x1  }
0xf4: {  	[sflag:s3] =	ssyncset.done $0x0  }
0xf5: {  	[sflag:s3] =	ssyncadd.s32 $0xFFFFFC00  }
0xf6: {  	_ =	sfence.sel $0x180000  }
0xf7: {  	[bflag:$0x0] =	sbarrier.arrive $0xFFFF  }
0xf8: {  	_ =	strace $0x90000047  }
0xf9: {  	s0 =	stileid.u32;
	[bflag:$0x2] =	sbarrier.arrive $0xFFFF  }
0xfa: {  	p0 =	sne.s32 s0, $0x0;
	s0 =	rddreg [dreg:$0x2]  }
0xfb: {  	s0 =	sadd.s32 @!p0 $0x100000, s0  }
0xfc: {  	[sflag:s0] =	ssyncadd.tile.s32 @!p0 $0x1;
	_ =	shalt  }
.Lfunc_end2:
_tile_overlayer_lowered:
.L_overlay_start_2:
0xfd: {  	(tag) =	ssettag $0x2  }
0xfe: {  	s0 =	rddreg [dreg:$0x0];
	s2 =	stileid.u32  }
0xff: {  	s1 =	rddreg [dreg:$0x1];
	p0 =	sne.s32 s2, $0x0  }
0x100: {  	s3 =	rddreg [dreg:$0x2];
	[bflag:$0x3] =	sbarrier.arrive $0xFFFF;
	s2 =	simm.s32 @!p0 $0x1C01  }
0x101: {  	[timem:s3], [sflag:s2] =	dma.local @!p0 [hbm:s0], s1  }
0x102: {  	s0 =	simm.s32 @!p0 $0x1  }
0x103: {  	_ =	swait.ge @!p0 [sflag:s0], s1  }
0x104: {  	s1 =	ssub.s32 @!p0 $0x0, s1;
	[sflag:s0] =	ssyncset.done @!p0 $0x0  }
0x105: {  	[sflag:s0] =	ssyncadd.s32 @!p0 s1  }
0x106: {  	[bflag:$0x3] =	sbarrier.arrive $0xFFFF  }
0x107: {  	_ =	shalt  }

</sc_bundles>
